<compile_context>
chip_gen: v7x
topology: tpu7x:2x2x1
jax: 0.10.2.dev20260603
libtpu: 0.0.44.dev20260713+nightly
codegen_flags: <defaults>
</compile_context>

<pallas_src>
import functools

import jax
import jax.numpy as jnp
from jax import lax
from jax.experimental import pallas as pl
from jax.experimental.pallas import tpu as pltpu
from jax.experimental.pallas import tpu_sc as plsc

NC = 2
NS = 16
NW = NC * NS



def _deg_partials(ei, n_nodes):
    nchunk = ei.shape[1] // NW
    ck = ei.shape[2]
    mesh = plsc.VectorSubcoreMesh(core_axis_name="c", subcore_axis_name="s")

    nq = 8

    @functools.partial(
        pl.kernel,
        out_type=jax.ShapeDtypeStruct((NC, n_nodes), jnp.float32),
        mesh=mesh,
        scratch_types=[
            pltpu.VMEM((nchunk, ck), jnp.int32),
            pltpu.VMEM((ck,), jnp.float32),
            pltpu.VMEM_SHARED((n_nodes,), jnp.float32),
            pltpu.SemaphoreType.DMA,
        ],
        compiler_params=pltpu.CompilerParams(use_tc_tiling_on_sc=False),
    )
    def k(ei_h, zeros_h, ones_h, out_h, idx_v, ones_v, deg_sh, sem):
        cid = lax.axis_index("c")
        sid = lax.axis_index("s")
        wid = cid * NS + sid

        @pl.when(sid == 0)
        def _():
            pltpu.sync_copy(zeros_h, deg_sh)

        pltpu.sync_copy(ei_h.at[1, pl.ds(wid * nchunk, nchunk)], idx_v)
        pltpu.sync_copy(ones_h, ones_v)
        plsc.subcore_barrier()

        def body(j, carry):
            pltpu.async_copy(ones_v, deg_sh.at[idx_v.at[j]], sem, add=True)

            @pl.when(j >= nq)
            def _():
                pltpu.make_async_copy(
                    ones_v, deg_sh.at[idx_v.at[0]], sem).wait()

            return carry

        lax.fori_loop(0, nchunk, body, 0)
        for _ in range(nq):
            pltpu.make_async_copy(ones_v, deg_sh.at[idx_v.at[0]], sem).wait()
        plsc.subcore_barrier()

        @pl.when(sid == 0)
        def _():
            pltpu.sync_copy(deg_sh, out_h.at[cid])

    return k(ei, jnp.zeros((n_nodes,), jnp.float32),
             jnp.ones((ck,), jnp.float32))


def _propagate_partials(y, ei, np_, nbuf):
    n, d = y.shape
    nchunk = ei.shape[1] // NW
    ck = ei.shape[2]
    rows_per_tile = -(np_ // -NS) + 7 & ~7
    mesh = plsc.VectorSubcoreMesh(core_axis_name="c", subcore_axis_name="s")

    @functools.partial(
        pl.kernel,
        out_type=jax.ShapeDtypeStruct((NC, np_, d), jnp.float32),
        mesh=mesh,
        scratch_types=[
            pltpu.VMEM((nchunk, ck), jnp.int32),
            pltpu.VMEM((nchunk, ck), jnp.int32),
            [pltpu.VMEM((ck, d), jnp.float32)] * nbuf,
            pltpu.VMEM_SHARED((np_, d), jnp.float32),
            [pltpu.SemaphoreType.DMA] * nbuf,
            [pltpu.SemaphoreType.DMA] * nbuf,
        ],
        compiler_params=pltpu.CompilerParams(use_tc_tiling_on_sc=False),
    )
    def k(y_h, ei_h, zeros_h, out_h, srci_v, dsti_v, rows,
          acc_sh, semg, sems):
        cid = lax.axis_index("c")
        sid = lax.axis_index("s")
        wid = cid * NS + sid

        pltpu.sync_copy(ei_h.at[0, pl.ds(wid * nchunk, nchunk)], srci_v)
        pltpu.sync_copy(ei_h.at[1, pl.ds(wid * nchunk, nchunk)], dsti_v)
        r0 = jnp.minimum(sid * rows_per_tile, np_ - rows_per_tile)
        pltpu.sync_copy(zeros_h, acc_sh.at[pl.ds(r0, rows_per_tile)])
        plsc.subcore_barrier()

        def step(j, b):
            pltpu.make_async_copy(y_h.at[srci_v.at[j]], rows[b],
                                  semg[b]).wait()
            bn = (b + nbuf - 1) % nbuf

            @pl.when(j + nbuf - 1 < nchunk)
            def _():
                @pl.when(j >= 1)
                def _():
                    pltpu.make_async_copy(
                        rows[bn], acc_sh.at[dsti_v.at[0]], sems[bn]).wait()
                pltpu.async_copy(y_h.at[srci_v.at[j + nbuf - 1]], rows[bn],
                                 semg[bn])

            pltpu.async_copy(rows[b], acc_sh.at[dsti_v.at[j]], sems[b],
                             add=True)

        for b in range(nbuf - 1):
            pltpu.async_copy(y_h.at[srci_v.at[b]], rows[b], semg[b])

        def body(j, carry):
            for b in range(nbuf):
                @pl.when((j % nbuf) == b)
                def _(b=b):
                    step(j, b)
            return carry

        lax.fori_loop(0, nchunk, body, 0)
        for b in range(nbuf):
            pltpu.make_async_copy(rows[b], acc_sh.at[dsti_v.at[0]],
                                  sems[b]).wait()

        plsc.subcore_barrier()
        pltpu.sync_copy(acc_sh.at[pl.ds(r0, rows_per_tile)],
                        out_h.at[cid, pl.ds(r0, rows_per_tile)])

    return k(y, ei, jnp.zeros((rows_per_tile, d), jnp.float32))



_BR = 2000


def _tc_matmul(x, w):
    n, din = x.shape
    dout = w.shape[1]

    def body(x_ref, w_ref, o_ref):
        o_ref[...] = jnp.dot(x_ref[...], w_ref[...],
                             preferred_element_type=jnp.float32)

    return pl.pallas_call(
        body,
        grid=(n // _BR,),
        in_specs=[
            pl.BlockSpec((_BR, din), lambda i: (i, 0)),
            pl.BlockSpec((din, dout), lambda i: (0, 0)),
        ],
        out_specs=pl.BlockSpec((_BR, dout), lambda i: (i, 0)),
        out_shape=jax.ShapeDtypeStruct((n, dout), jnp.float32),
    )(x, w)


def _tc_scale_in(xw, deg_t):
    n, dout = xw.shape

    def body(x_ref, dg_ref, y_ref, dis_ref):
        deg = dg_ref[:, 0:1] + dg_ref[:, 1:2] + 1.0
        dis = lax.rsqrt(deg)
        y_ref[...] = x_ref[...] * dis
        dis_ref[...] = dis

    return pl.pallas_call(
        body,
        grid=(n // _BR,),
        in_specs=[
            pl.BlockSpec((_BR, dout), lambda i: (i, 0)),
            pl.BlockSpec((_BR, 2), lambda i: (i, 0)),
        ],
        out_specs=[
            pl.BlockSpec((_BR, dout), lambda i: (i, 0)),
            pl.BlockSpec((_BR, 1), lambda i: (i, 0)),
        ],
        out_shape=[
            jax.ShapeDtypeStruct((n, dout), jnp.float32),
            jax.ShapeDtypeStruct((n, 1), jnp.float32),
        ],
    )(xw, deg_t)


def _tc_mid(p, y1, dis, b1, w2):
    n, dh = y1.shape
    dout = w2.shape[1]

    def body(p_ref, y_ref, dis_ref, b_ref, w_ref, o_ref):
        s = p_ref[0] + p_ref[1] + y_ref[...]
        h = jnp.maximum(s * dis_ref[...] + b_ref[...], 0.0)
        o_ref[...] = jnp.dot(h, w_ref[...],
                             preferred_element_type=jnp.float32) * dis_ref[...]

    return pl.pallas_call(
        body,
        grid=(n // _BR,),
        in_specs=[
            pl.BlockSpec((NC, _BR, dh), lambda i: (0, i, 0)),
            pl.BlockSpec((_BR, dh), lambda i: (i, 0)),
            pl.BlockSpec((_BR, 1), lambda i: (i, 0)),
            pl.BlockSpec((1, dh), lambda i: (0, 0)),
            pl.BlockSpec((dh, dout), lambda i: (0, 0)),
        ],
        out_specs=pl.BlockSpec((_BR, dout), lambda i: (i, 0)),
        out_shape=jax.ShapeDtypeStruct((n, dout), jnp.float32),
    )(p, y1, dis, b1.reshape(1, dh), w2)


def _tc_out(p, y2, dis, b2):
    n, dout = y2.shape

    def body(p_ref, y_ref, dis_ref, b_ref, o_ref):
        o = (p_ref[0] + p_ref[1] + y_ref[...]) * dis_ref[...] + b_ref[...]
        m = jnp.max(o, axis=-1, keepdims=True)
        ex = jnp.exp(o - m)
        o_ref[...] = ex / jnp.sum(ex, axis=-1, keepdims=True)

    return pl.pallas_call(
        body,
        grid=(n // _BR,),
        in_specs=[
            pl.BlockSpec((NC, _BR, dout), lambda i: (0, i, 0)),
            pl.BlockSpec((_BR, dout), lambda i: (i, 0)),
            pl.BlockSpec((_BR, 1), lambda i: (i, 0)),
            pl.BlockSpec((1, dout), lambda i: (0, 0)),
        ],
        out_specs=pl.BlockSpec((_BR, dout), lambda i: (i, 0)),
        out_shape=jax.ShapeDtypeStruct((n, dout), jnp.float32),
    )(p, y2, dis, b2.reshape(1, dout))



def kernel(x, edge_index, W1, b1, W2, b2):
    n = x.shape[0]
    e = edge_index.shape[1]

    ck1, ck2 = 80, 128
    ei1 = edge_index.reshape(2, e // ck1, ck1)
    nch2 = -(e // -(ck2 * NW))
    epad = nch2 * ck2 * NW - e
    idx_pad = jnp.arange(epad, dtype=edge_index.dtype)
    ei2 = jnp.concatenate(
        [edge_index, jnp.stack([idx_pad % n, n + (idx_pad % 128)])],
        axis=1).reshape(2, NW * nch2, ck2)

    degp = _deg_partials(ei1, n)
    xw1 = _tc_matmul(x, W1)
    deg_t = jnp.transpose(degp)

    y1, dis = _tc_scale_in(xw1, deg_t)
    p1 = _propagate_partials(y1, ei1, n, nbuf=3)
    y2 = _tc_mid(p1, y1, dis, b1, W2)
    p2 = _propagate_partials(y2, ei2, n + 128, nbuf=6)
    return _tc_out(p2, y2, dis, b2)

# --- scband reference (transcript-rebuilt; emitter-appended) ---
"""Pipeline reference for scband-gcn-25546465477207 (READ-ONLY COPY).

The authoritative reference and input builder live on the scoring server;
editing this copy changes nothing except your own understanding.
"""

import jax, jax.numpy as jnp
import numpy as np

N_NODES = 10000
E_EDGES = 320000
D_IN = 128
D_H = 128
D_OUT = 40


def gcn_conv(x, src, dst, W, b, num_nodes):
    # PyG GCNConv: add self-loops, symmetric normalization D^-1/2 (A+I) D^-1/2 X W + b
    loop = jnp.arange(num_nodes, dtype=src.dtype)
    src_sl = jnp.concatenate([src, loop])
    dst_sl = jnp.concatenate([dst, loop])
    deg = jnp.zeros((num_nodes,), dtype=x.dtype).at[dst_sl].add(1.0)
    deg_inv_sqrt = jnp.where(deg > 0, 1.0 / jnp.sqrt(deg), 0.0)
    norm = deg_inv_sqrt[src_sl] * deg_inv_sqrt[dst_sl]
    xw = x @ W
    msg = xw[src_sl] * norm[:, None]
    out = jnp.zeros((num_nodes, W.shape[1]), dtype=x.dtype).at[dst_sl].add(msg)
    return out + b


def setup_inputs(seed: int = 0) -> dict:
    key = jax.random.key(seed)
    k1, k2, k3, k4, k5, k6 = jax.random.split(key, 6)
    x = jax.random.normal(k1, (N_NODES, D_IN), dtype=jnp.float32)
    edge_index = jax.random.randint(k2, (2, E_EDGES), 0, N_NODES, dtype=jnp.int32)
    W1 = jax.random.normal(k3, (D_IN, D_H), dtype=jnp.float32) * (1.0 / np.sqrt(D_IN))
    b1 = jnp.zeros((D_H,), dtype=jnp.float32)
    W2 = jax.random.normal(k4, (D_H, D_OUT), dtype=jnp.float32) * (1.0 / np.sqrt(D_H))
    b2 = jnp.zeros((D_OUT,), dtype=jnp.float32)
    return {"x": x, "edge_index": edge_index, "W1": W1, "b1": b1, "W2": W2, "b2": b2}


def reference(x, edge_index, W1, b1, W2, b2):
    src = edge_index[0]
    dst = edge_index[1]
    h = jax.nn.relu(gcn_conv(x, src, dst, W1, b1, N_NODES))
    # dropout is a no-op in eval mode
    out = gcn_conv(h, src, dst, W2, b2, N_NODES)
    return jax.nn.softmax(out, axis=-1)

if __name__ == "__main__":
    import jax
    _d = setup_inputs()
    print(jax.jit(kernel)(*tuple(_d.values())))

</pallas_src>

<mosaic_0001>
#map = affine_map<(d0, d1) -> (0, 0)>
#map1 = affine_map<(d0, d1) -> (0, 0, 0)>
module attributes {stable_mosaic.version = 14 : i64} {
  func.func @k(%arg0: i32, %arg1: i32, %arg2: memref<10000x40xf32, #tpu.memory_space<hbm>>, %arg3: memref<2x2528x128xi32, #tpu.memory_space<hbm>>, %arg4: memref<640x40xf32, #tpu.memory_space<hbm>>, %arg5: memref<2x10128x40xf32, #tpu.memory_space<hbm>>, %arg6: memref<79x128xi32, #tpu.memory_space<vmem>>, %arg7: memref<79x128xi32, #tpu.memory_space<vmem>>, %arg8: memref<128x40xf32, #tpu.memory_space<vmem>>, %arg9: memref<128x40xf32, #tpu.memory_space<vmem>>, %arg10: memref<128x40xf32, #tpu.memory_space<vmem>>, %arg11: memref<128x40xf32, #tpu.memory_space<vmem>>, %arg12: memref<128x40xf32, #tpu.memory_space<vmem>>, %arg13: memref<128x40xf32, #tpu.memory_space<vmem>>, %arg14: memref<10128x40xf32, #tpu.memory_space<vmem_shared>>, %arg15: memref<!tpu.dma_semaphore, #tpu.memory_space<semaphore_mem>>, %arg16: memref<!tpu.dma_semaphore, #tpu.memory_space<semaphore_mem>>, %arg17: memref<!tpu.dma_semaphore, #tpu.memory_space<semaphore_mem>>, %arg18: memref<!tpu.dma_semaphore, #tpu.memory_space<semaphore_mem>>, %arg19: memref<!tpu.dma_semaphore, #tpu.memory_space<semaphore_mem>>, %arg20: memref<!tpu.dma_semaphore, #tpu.memory_space<semaphore_mem>>, %arg21: memref<!tpu.dma_semaphore, #tpu.memory_space<semaphore_mem>>, %arg22: memref<!tpu.dma_semaphore, #tpu.memory_space<semaphore_mem>>, %arg23: memref<!tpu.dma_semaphore, #tpu.memory_space<semaphore_mem>>, %arg24: memref<!tpu.dma_semaphore, #tpu.memory_space<semaphore_mem>>, %arg25: memref<!tpu.dma_semaphore, #tpu.memory_space<semaphore_mem>>, %arg26: memref<!tpu.dma_semaphore, #tpu.memory_space<semaphore_mem>>) attributes {dimension_semantics = [#tpu.dimension_semantics<core_parallel>, #tpu.dimension_semantics<subcore_parallel>], iteration_bounds = array<i64: 2, 16>, scalar_prefetch = 0 : i64, scratch_operands = 21 : i64, tpu.core_type = #tpu.core_type<sc_vector_subcore>, window_params = [{transform_indices = #map}, {transform_indices = #map1}, {transform_indices = #map}, {transform_indices = #map1}]} {
    %mul3A = arith.constant 16 : i32
    %mul3A_0 = arith.muli %arg0, %mul3A : i32
    %add3A = arith.addi %mul3A_0, %arg1 : i32
    %mul3A_1 = arith.constant 79 : i32
    %mul3A_2 = arith.muli %add3A, %mul3A_1 : i32
    %run_scoped3A = arith.constant 0 : i32
    "tpu.region"() ({
      %run_scoped3A_90 = tpu.sem_alloc : memref<!tpu.dma_semaphore, #tpu.memory_space<semaphore_mem>>
      %dma_start3A_91 = arith.constant 0 : i32
      %dma_start3A_92 = tpu.memref_slice %arg3[%run_scoped3A, %mul3A_2, %dma_start3A_91] : memref<2x2528x128xi32, #tpu.memory_space<hbm>> -> memref<1x79x128xi32, #tpu.memory_space<hbm>>
      %dma_start3A_93 = tpu.memref_squeeze %dma_start3A_92 : memref<1x79x128xi32, #tpu.memory_space<hbm>> -> memref<79x128xi32, #tpu.memory_space<hbm>>
      %dma_start3A_94 = arith.constant 0 : i32
      %dma_start3A_95 = tpu.memref_slice %arg3[%run_scoped3A, %mul3A_2, %dma_start3A_94] : memref<2x2528x128xi32, #tpu.memory_space<hbm>> -> memref<1x79x128xi32, #tpu.memory_space<hbm>>
      %dma_start3A_96 = tpu.memref_squeeze %dma_start3A_95 : memref<1x79x128xi32, #tpu.memory_space<hbm>> -> memref<79x128xi32, #tpu.memory_space<hbm>>
      tpu.enqueue_dma source(%dma_start3A_96 : memref<79x128xi32, #tpu.memory_space<hbm>>) target(%arg6 : memref<79x128xi32, #tpu.memory_space<vmem>>) target_semaphore(%run_scoped3A_90 : memref<!tpu.dma_semaphore, #tpu.memory_space<semaphore_mem>>)
      %dma_wait3A_97 = arith.constant 0 : i32
      %dma_wait3A_98 = tpu.memref_slice %arg3[%run_scoped3A, %mul3A_2, %dma_wait3A_97] : memref<2x2528x128xi32, #tpu.memory_space<hbm>> -> memref<1x79x128xi32, #tpu.memory_space<hbm>>
      %dma_wait3A_99 = tpu.memref_squeeze %dma_wait3A_98 : memref<1x79x128xi32, #tpu.memory_space<hbm>> -> memref<79x128xi32, #tpu.memory_space<hbm>>
      %dma_wait3A_100 = arith.constant 0 : i32
      %dma_wait3A_101 = tpu.memref_slice %arg3[%run_scoped3A, %mul3A_2, %dma_wait3A_100] : memref<2x2528x128xi32, #tpu.memory_space<hbm>> -> memref<1x79x128xi32, #tpu.memory_space<hbm>>
      %dma_wait3A_102 = tpu.memref_squeeze %dma_wait3A_101 : memref<1x79x128xi32, #tpu.memory_space<hbm>> -> memref<79x128xi32, #tpu.memory_space<hbm>>
      tpu.wait_dma2 semaphore(%run_scoped3A_90 : memref<!tpu.dma_semaphore, #tpu.memory_space<semaphore_mem>>) src(%dma_wait3A_102 : memref<79x128xi32, #tpu.memory_space<hbm>>) dst(%arg6 : memref<79x128xi32, #tpu.memory_space<vmem>>)
      tpu.yield
    }) : () -> ()
    %mul3A_3 = arith.constant 79 : i32
    %mul3A_4 = arith.muli %add3A, %mul3A_3 : i32
    %run_scoped3A_5 = arith.constant 1 : i32
    "tpu.region"() ({
      %run_scoped3A_90 = tpu.sem_alloc : memref<!tpu.dma_semaphore, #tpu.memory_space<semaphore_mem>>
      %dma_start3A_91 = arith.constant 0 : i32
      %dma_start3A_92 = tpu.memref_slice %arg3[%run_scoped3A_5, %mul3A_4, %dma_start3A_91] : memref<2x2528x128xi32, #tpu.memory_space<hbm>> -> memref<1x79x128xi32, #tpu.memory_space<hbm>>
      %dma_start3A_93 = tpu.memref_squeeze %dma_start3A_92 : memref<1x79x128xi32, #tpu.memory_space<hbm>> -> memref<79x128xi32, #tpu.memory_space<hbm>>
      %dma_start3A_94 = arith.constant 0 : i32
      %dma_start3A_95 = tpu.memref_slice %arg3[%run_scoped3A_5, %mul3A_4, %dma_start3A_94] : memref<2x2528x128xi32, #tpu.memory_space<hbm>> -> memref<1x79x128xi32, #tpu.memory_space<hbm>>
      %dma_start3A_96 = tpu.memref_squeeze %dma_start3A_95 : memref<1x79x128xi32, #tpu.memory_space<hbm>> -> memref<79x128xi32, #tpu.memory_space<hbm>>
      tpu.enqueue_dma source(%dma_start3A_96 : memref<79x128xi32, #tpu.memory_space<hbm>>) target(%arg7 : memref<79x128xi32, #tpu.memory_space<vmem>>) target_semaphore(%run_scoped3A_90 : memref<!tpu.dma_semaphore, #tpu.memory_space<semaphore_mem>>)
      %dma_wait3A_97 = arith.constant 0 : i32
      %dma_wait3A_98 = tpu.memref_slice %arg3[%run_scoped3A_5, %mul3A_4, %dma_wait3A_97] : memref<2x2528x128xi32, #tpu.memory_space<hbm>> -> memref<1x79x128xi32, #tpu.memory_space<hbm>>
      %dma_wait3A_99 = tpu.memref_squeeze %dma_wait3A_98 : memref<1x79x128xi32, #tpu.memory_space<hbm>> -> memref<79x128xi32, #tpu.memory_space<hbm>>
      %dma_wait3A_100 = arith.constant 0 : i32
      %dma_wait3A_101 = tpu.memref_slice %arg3[%run_scoped3A_5, %mul3A_4, %dma_wait3A_100] : memref<2x2528x128xi32, #tpu.memory_space<hbm>> -> memref<1x79x128xi32, #tpu.memory_space<hbm>>
      %dma_wait3A_102 = tpu.memref_squeeze %dma_wait3A_101 : memref<1x79x128xi32, #tpu.memory_space<hbm>> -> memref<79x128xi32, #tpu.memory_space<hbm>>
      tpu.wait_dma2 semaphore(%run_scoped3A_90 : memref<!tpu.dma_semaphore, #tpu.memory_space<semaphore_mem>>) src(%dma_wait3A_102 : memref<79x128xi32, #tpu.memory_space<hbm>>) dst(%arg7 : memref<79x128xi32, #tpu.memory_space<vmem>>)
      tpu.yield
    }) : () -> ()
    %mul3A_6 = arith.constant 640 : i32
    %mul3A_7 = arith.muli %arg1, %mul3A_6 : i32
    %min3A = arith.constant 9488 : i32
    %min3A_8 = arith.minsi %mul3A_7, %min3A : i32
    "tpu.region"() ({
      %run_scoped3A_90 = tpu.sem_alloc : memref<!tpu.dma_semaphore, #tpu.memory_space<semaphore_mem>>
      %dma_start3A_91 = arith.constant 0 : i32
      %dma_start3A_92 = tpu.memref_slice %arg14[%min3A_8, %dma_start3A_91] : memref<10128x40xf32, #tpu.memory_space<vmem_shared>> -> memref<640x40xf32, #tpu.memory_space<vmem_shared>>
      tpu.enqueue_dma source(%arg4 : memref<640x40xf32, #tpu.memory_space<hbm>>) target(%dma_start3A_92 : memref<640x40xf32, #tpu.memory_space<vmem_shared>>) target_semaphore(%run_scoped3A_90 : memref<!tpu.dma_semaphore, #tpu.memory_space<semaphore_mem>>)
      %dma_wait3A_93 = arith.constant 0 : i32
      %dma_wait3A_94 = tpu.memref_slice %arg14[%min3A_8, %dma_wait3A_93] : memref<10128x40xf32, #tpu.memory_space<vmem_shared>> -> memref<640x40xf32, #tpu.memory_space<vmem_shared>>
      tpu.wait_dma2 semaphore(%run_scoped3A_90 : memref<!tpu.dma_semaphore, #tpu.memory_space<semaphore_mem>>) src(%arg4 : memref<640x40xf32, #tpu.memory_space<hbm>>) dst(%dma_wait3A_94 : memref<640x40xf32, #tpu.memory_space<vmem_shared>>)
      tpu.yield
    }) : () -> ()
    %barrier3A = arith.constant 0 : index
    tpu.barrier barrier_id(%barrier3A)
    %dma_start3A = arith.constant 0 : i32
    %dma_start3A_9 = arith.constant 0 : i32
    %dma_start3A_10 = tpu.memref_slice %arg6[%dma_start3A, %dma_start3A_9] : memref<79x128xi32, #tpu.memory_space<vmem>> -> memref<1x128xi32, #tpu.memory_space<vmem>>
    %dma_start3A_11 = tpu.memref_squeeze %dma_start3A_10 : memref<1x128xi32, #tpu.memory_space<vmem>> -> memref<128xi32, #tpu.memory_space<vmem>>
    %dma_start3A_12 = arith.constant 0 : i32
    %dma_start3A_13 = arith.constant 0 : i32
    %dma_start3A_14 = tpu.memref_slice %arg2[%dma_start3A_12, %dma_start3A_13] : memref<10000x40xf32, #tpu.memory_space<hbm>> -> memref<10000x40xf32, #tpu.memory_space<hbm>>
    tpu.enqueue_indirect_dma source(%dma_start3A_14 : memref<10000x40xf32, #tpu.memory_space<hbm>>) target(%arg8 : memref<128x40xf32, #tpu.memory_space<vmem>>) offsets(%dma_start3A_11 : memref<128xi32, #tpu.memory_space<vmem>>) semaphore(%arg15 : memref<!tpu.dma_semaphore, #tpu.memory_space<semaphore_mem>>)
    %dma_start3A_15 = arith.constant 1 : i32
    %dma_start3A_16 = arith.constant 0 : i32
    %dma_start3A_17 = tpu.memref_slice %arg6[%dma_start3A_15, %dma_start3A_16] : memref<79x128xi32, #tpu.memory_space<vmem>> -> memref<1x128xi32, #tpu.memory_space<vmem>>
    %dma_start3A_18 = tpu.memref_squeeze %dma_start3A_17 : memref<1x128xi32, #tpu.memory_space<vmem>> -> memref<128xi32, #tpu.memory_space<vmem>>
    %dma_start3A_19 = arith.constant 0 : i32
    %dma_start3A_20 = arith.constant 0 : i32
    %dma_start3A_21 = tpu.memref_slice %arg2[%dma_start3A_19, %dma_start3A_20] : memref<10000x40xf32, #tpu.memory_space<hbm>> -> memref<10000x40xf32, #tpu.memory_space<hbm>>
    tpu.enqueue_indirect_dma source(%dma_start3A_21 : memref<10000x40xf32, #tpu.memory_space<hbm>>) target(%arg9 : memref<128x40xf32, #tpu.memory_space<vmem>>) offsets(%dma_start3A_18 : memref<128xi32, #tpu.memory_space<vmem>>) semaphore(%arg16 : memref<!tpu.dma_semaphore, #tpu.memory_space<semaphore_mem>>)
    %dma_start3A_22 = arith.constant 2 : i32
    %dma_start3A_23 = arith.constant 0 : i32
    %dma_start3A_24 = tpu.memref_slice %arg6[%dma_start3A_22, %dma_start3A_23] : memref<79x128xi32, #tpu.memory_space<vmem>> -> memref<1x128xi32, #tpu.memory_space<vmem>>
    %dma_start3A_25 = tpu.memref_squeeze %dma_start3A_24 : memref<1x128xi32, #tpu.memory_space<vmem>> -> memref<128xi32, #tpu.memory_space<vmem>>
    %dma_start3A_26 = arith.constant 0 : i32
    %dma_start3A_27 = arith.constant 0 : i32
    %dma_start3A_28 = tpu.memref_slice %arg2[%dma_start3A_26, %dma_start3A_27] : memref<10000x40xf32, #tpu.memory_space<hbm>> -> memref<10000x40xf32, #tpu.memory_space<hbm>>
    tpu.enqueue_indirect_dma source(%dma_start3A_28 : memref<10000x40xf32, #tpu.memory_space<hbm>>) target(%arg10 : memref<128x40xf32, #tpu.memory_space<vmem>>) offsets(%dma_start3A_25 : memref<128xi32, #tpu.memory_space<vmem>>) semaphore(%arg17 : memref<!tpu.dma_semaphore, #tpu.memory_space<semaphore_mem>>)
    %dma_start3A_29 = arith.constant 3 : i32
    %dma_start3A_30 = arith.constant 0 : i32
    %dma_start3A_31 = tpu.memref_slice %arg6[%dma_start3A_29, %dma_start3A_30] : memref<79x128xi32, #tpu.memory_space<vmem>> -> memref<1x128xi32, #tpu.memory_space<vmem>>
    %dma_start3A_32 = tpu.memref_squeeze %dma_start3A_31 : memref<1x128xi32, #tpu.memory_space<vmem>> -> memref<128xi32, #tpu.memory_space<vmem>>
    %dma_start3A_33 = arith.constant 0 : i32
    %dma_start3A_34 = arith.constant 0 : i32
    %dma_start3A_35 = tpu.memref_slice %arg2[%dma_start3A_33, %dma_start3A_34] : memref<10000x40xf32, #tpu.memory_space<hbm>> -> memref<10000x40xf32, #tpu.memory_space<hbm>>
    tpu.enqueue_indirect_dma source(%dma_start3A_35 : memref<10000x40xf32, #tpu.memory_space<hbm>>) target(%arg11 : memref<128x40xf32, #tpu.memory_space<vmem>>) offsets(%dma_start3A_32 : memref<128xi32, #tpu.memory_space<vmem>>) semaphore(%arg18 : memref<!tpu.dma_semaphore, #tpu.memory_space<semaphore_mem>>)
    %dma_start3A_36 = arith.constant 4 : i32
    %dma_start3A_37 = arith.constant 0 : i32
    %dma_start3A_38 = tpu.memref_slice %arg6[%dma_start3A_36, %dma_start3A_37] : memref<79x128xi32, #tpu.memory_space<vmem>> -> memref<1x128xi32, #tpu.memory_space<vmem>>
    %dma_start3A_39 = tpu.memref_squeeze %dma_start3A_38 : memref<1x128xi32, #tpu.memory_space<vmem>> -> memref<128xi32, #tpu.memory_space<vmem>>
    %dma_start3A_40 = arith.constant 0 : i32
    %dma_start3A_41 = arith.constant 0 : i32
    %dma_start3A_42 = tpu.memref_slice %arg2[%dma_start3A_40, %dma_start3A_41] : memref<10000x40xf32, #tpu.memory_space<hbm>> -> memref<10000x40xf32, #tpu.memory_space<hbm>>
    tpu.enqueue_indirect_dma source(%dma_start3A_42 : memref<10000x40xf32, #tpu.memory_space<hbm>>) target(%arg12 : memref<128x40xf32, #tpu.memory_space<vmem>>) offsets(%dma_start3A_39 : memref<128xi32, #tpu.memory_space<vmem>>) semaphore(%arg19 : memref<!tpu.dma_semaphore, #tpu.memory_space<semaphore_mem>>)
    %scan3A = arith.constant 0 : i32
    %scan3A_43 = arith.constant 0 : i32
    %scan3A_44 = arith.constant 79 : i32
    %scan3A_45 = arith.addi %scan3A_43, %scan3A_44 : i32
    %scan3A_46 = arith.constant 1 : i32
    scf.for %scan3A_90 = %scan3A_43 to %scan3A_45 step %scan3A_46  : i32 {
      %jit3A = arith.constant 6 : i32
      %eq3A = arith.constant 0 : i32
      %eq3A_91 = arith.cmpi eq, %jit3A, %eq3A : i32
      %jit3A_92 = arith.constant 1 : i32
      %select_n3A = arith.select %eq3A_91, %jit3A_92, %jit3A : i32
      %rem3A = arith.remsi %scan3A_90, %select_n3A : i32
      %ne3A = arith.constant 0 : i32
      %ne3A_93 = arith.cmpi ne, %rem3A, %ne3A : i32
      %lt3A = arith.constant 0 : i32
      %lt3A_94 = arith.cmpi slt, %rem3A, %lt3A : i32
      %lt3A_95 = arith.constant 0 : i32
      %lt3A_96 = arith.cmpi slt, %select_n3A, %lt3A_95 : i32
      %ne3A_97 = arith.xori %lt3A_94, %lt3A_96 : i1
      %and3A = arith.andi %ne3A_97, %ne3A_93 : i1
      %add3A_98 = arith.addi %rem3A, %select_n3A : i32
      %select_n3A_99 = arith.select %and3A, %add3A_98, %rem3A : i32
      %eq3A_100 = arith.constant 0 : i32
      %eq3A_101 = arith.cmpi eq, %select_n3A_99, %eq3A_100 : i32
      %convert_element_type3A = arith.extui %eq3A_101 : i1 to i32
      %cond3A = arith.constant 0 : i32
      %cond3A_102 = arith.cmpi ne, %convert_element_type3A, %cond3A : i32
      scf.if %cond3A_102 {
        %dma_wait3A_208 = arith.constant 0 : i32
        %dma_wait3A_209 = tpu.memref_slice %arg6[%scan3A_90, %dma_wait3A_208] : memref<79x128xi32, #tpu.memory_space<vmem>> -> memref<1x128xi32, #tpu.memory_space<vmem>>
        %dma_wait3A_210 = tpu.memref_squeeze %dma_wait3A_209 : memref<1x128xi32, #tpu.memory_space<vmem>> -> memref<128xi32, #tpu.memory_space<vmem>>
        %dma_wait3A_211 = arith.constant 0 : i32
        %dma_wait3A_212 = arith.constant 0 : i32
        %dma_wait3A_213 = tpu.memref_slice %arg2[%dma_wait3A_211, %dma_wait3A_212] : memref<10000x40xf32, #tpu.memory_space<hbm>> -> memref<10000x40xf32, #tpu.memory_space<hbm>>
        tpu.wait_indirect_dma semaphore(%arg15 : memref<!tpu.dma_semaphore, #tpu.memory_space<semaphore_mem>>) src(%dma_wait3A_213 : memref<10000x40xf32, #tpu.memory_space<hbm>>) dst(%arg8 : memref<128x40xf32, #tpu.memory_space<vmem>>)
        %add3A_214 = arith.constant 6 : i32
        %add3A_215 = arith.addi %scan3A_90, %add3A_214 : i32
        %sub3A = arith.constant 1 : i32
        %sub3A_216 = arith.subi %add3A_215, %sub3A : i32
        %lt3A_217 = arith.constant 79 : i32
        %lt3A_218 = arith.cmpi slt, %sub3A_216, %lt3A_217 : i32
        %convert_element_type3A_219 = arith.extui %lt3A_218 : i1 to i32
        %cond3A_220 = arith.constant 0 : i32
        %cond3A_221 = arith.cmpi ne, %convert_element_type3A_219, %cond3A_220 : i32
        scf.if %cond3A_221 {
          %ge3A = arith.constant 1 : i32
          %ge3A_228 = arith.cmpi sge, %scan3A_90, %ge3A : i32
          %convert_element_type3A_229 = arith.extui %ge3A_228 : i1 to i32
          %cond3A_230 = arith.constant 0 : i32
          %cond3A_231 = arith.cmpi ne, %convert_element_type3A_229, %cond3A_230 : i32
          scf.if %cond3A_231 {
            %dma_wait3A_242 = arith.constant 0 : i32
            %dma_wait3A_243 = arith.constant 0 : i32
            %dma_wait3A_244 = tpu.memref_slice %arg7[%dma_wait3A_242, %dma_wait3A_243] : memref<79x128xi32, #tpu.memory_space<vmem>> -> memref<1x128xi32, #tpu.memory_space<vmem>>
            %dma_wait3A_245 = tpu.memref_squeeze %dma_wait3A_244 : memref<1x128xi32, #tpu.memory_space<vmem>> -> memref<128xi32, #tpu.memory_space<vmem>>
            %dma_wait3A_246 = arith.constant 0 : i32
            %dma_wait3A_247 = arith.constant 0 : i32
            %dma_wait3A_248 = tpu.memref_slice %arg14[%dma_wait3A_246, %dma_wait3A_247] : memref<10128x40xf32, #tpu.memory_space<vmem_shared>> -> memref<10128x40xf32, #tpu.memory_space<vmem_shared>>
            tpu.wait_indirect_dma semaphore(%arg26 : memref<!tpu.dma_semaphore, #tpu.memory_space<semaphore_mem>>) src(%arg13 : memref<128x40xf32, #tpu.memory_space<vmem>>) dst(%dma_wait3A_248 : memref<10128x40xf32, #tpu.memory_space<vmem_shared>>)
          } else {
          }
          %add3A_232 = arith.constant 6 : i32
          %add3A_233 = arith.addi %scan3A_90, %add3A_232 : i32
          %sub3A_234 = arith.constant 1 : i32
          %sub3A_235 = arith.subi %add3A_233, %sub3A_234 : i32
          %dma_start3A_236 = arith.constant 0 : i32
          %dma_start3A_237 = tpu.memref_slice %arg6[%sub3A_235, %dma_start3A_236] : memref<79x128xi32, #tpu.memory_space<vmem>> -> memref<1x128xi32, #tpu.memory_space<vmem>>
          %dma_start3A_238 = tpu.memref_squeeze %dma_start3A_237 : memref<1x128xi32, #tpu.memory_space<vmem>> -> memref<128xi32, #tpu.memory_space<vmem>>
          %dma_start3A_239 = arith.constant 0 : i32
          %dma_start3A_240 = arith.constant 0 : i32
          %dma_start3A_241 = tpu.memref_slice %arg2[%dma_start3A_239, %dma_start3A_240] : memref<10000x40xf32, #tpu.memory_space<hbm>> -> memref<10000x40xf32, #tpu.memory_space<hbm>>
          tpu.enqueue_indirect_dma source(%dma_start3A_241 : memref<10000x40xf32, #tpu.memory_space<hbm>>) target(%arg13 : memref<128x40xf32, #tpu.memory_space<vmem>>) offsets(%dma_start3A_238 : memref<128xi32, #tpu.memory_space<vmem>>) semaphore(%arg20 : memref<!tpu.dma_semaphore, #tpu.memory_space<semaphore_mem>>)
        } else {
        }
        %dma_start3A_222 = arith.constant 0 : i32
        %dma_start3A_223 = tpu.memref_slice %arg7[%scan3A_90, %dma_start3A_222] : memref<79x128xi32, #tpu.memory_space<vmem>> -> memref<1x128xi32, #tpu.memory_space<vmem>>
        %dma_start3A_224 = tpu.memref_squeeze %dma_start3A_223 : memref<1x128xi32, #tpu.memory_space<vmem>> -> memref<128xi32, #tpu.memory_space<vmem>>
        %dma_start3A_225 = arith.constant 0 : i32
        %dma_start3A_226 = arith.constant 0 : i32
        %dma_start3A_227 = tpu.memref_slice %arg14[%dma_start3A_225, %dma_start3A_226] : memref<10128x40xf32, #tpu.memory_space<vmem_shared>> -> memref<10128x40xf32, #tpu.memory_space<vmem_shared>>
        tpu.enqueue_indirect_dma source(%arg8 : memref<128x40xf32, #tpu.memory_space<vmem>>) target(%dma_start3A_227 : memref<10128x40xf32, #tpu.memory_space<vmem_shared>>) offsets(%dma_start3A_224 : memref<128xi32, #tpu.memory_space<vmem>>) semaphore(%arg21 : memref<!tpu.dma_semaphore, #tpu.memory_space<semaphore_mem>>) {add = true}
      } else {
      }
      %jit3A_103 = arith.constant 6 : i32
      %eq3A_104 = arith.constant 0 : i32
      %eq3A_105 = arith.cmpi eq, %jit3A_103, %eq3A_104 : i32
      %jit3A_106 = arith.constant 1 : i32
      %select_n3A_107 = arith.select %eq3A_105, %jit3A_106, %jit3A_103 : i32
      %rem3A_108 = arith.remsi %scan3A_90, %select_n3A_107 : i32
      %ne3A_109 = arith.constant 0 : i32
      %ne3A_110 = arith.cmpi ne, %rem3A_108, %ne3A_109 : i32
      %lt3A_111 = arith.constant 0 : i32
      %lt3A_112 = arith.cmpi slt, %rem3A_108, %lt3A_111 : i32
      %lt3A_113 = arith.constant 0 : i32
      %lt3A_114 = arith.cmpi slt, %select_n3A_107, %lt3A_113 : i32
      %ne3A_115 = arith.xori %lt3A_112, %lt3A_114 : i1
      %and3A_116 = arith.andi %ne3A_115, %ne3A_110 : i1
      %add3A_117 = arith.addi %rem3A_108, %select_n3A_107 : i32
      %select_n3A_118 = arith.select %and3A_116, %add3A_117, %rem3A_108 : i32
      %eq3A_119 = arith.constant 1 : i32
      %eq3A_120 = arith.cmpi eq, %select_n3A_118, %eq3A_119 : i32
      %convert_element_type3A_121 = arith.extui %eq3A_120 : i1 to i32
      %cond3A_122 = arith.constant 0 : i32
      %cond3A_123 = arith.cmpi ne, %convert_element_type3A_121, %cond3A_122 : i32
      scf.if %cond3A_123 {
        %dma_wait3A_208 = arith.constant 0 : i32
        %dma_wait3A_209 = tpu.memref_slice %arg6[%scan3A_90, %dma_wait3A_208] : memref<79x128xi32, #tpu.memory_space<vmem>> -> memref<1x128xi32, #tpu.memory_space<vmem>>
        %dma_wait3A_210 = tpu.memref_squeeze %dma_wait3A_209 : memref<1x128xi32, #tpu.memory_space<vmem>> -> memref<128xi32, #tpu.memory_space<vmem>>
        %dma_wait3A_211 = arith.constant 0 : i32
        %dma_wait3A_212 = arith.constant 0 : i32
        %dma_wait3A_213 = tpu.memref_slice %arg2[%dma_wait3A_211, %dma_wait3A_212] : memref<10000x40xf32, #tpu.memory_space<hbm>> -> memref<10000x40xf32, #tpu.memory_space<hbm>>
        tpu.wait_indirect_dma semaphore(%arg16 : memref<!tpu.dma_semaphore, #tpu.memory_space<semaphore_mem>>) src(%dma_wait3A_213 : memref<10000x40xf32, #tpu.memory_space<hbm>>) dst(%arg9 : memref<128x40xf32, #tpu.memory_space<vmem>>)
        %add3A_214 = arith.constant 6 : i32
        %add3A_215 = arith.addi %scan3A_90, %add3A_214 : i32
        %sub3A = arith.constant 1 : i32
        %sub3A_216 = arith.subi %add3A_215, %sub3A : i32
        %lt3A_217 = arith.constant 79 : i32
        %lt3A_218 = arith.cmpi slt, %sub3A_216, %lt3A_217 : i32
        %convert_element_type3A_219 = arith.extui %lt3A_218 : i1 to i32
        %cond3A_220 = arith.constant 0 : i32
        %cond3A_221 = arith.cmpi ne, %convert_element_type3A_219, %cond3A_220 : i32
        scf.if %cond3A_221 {
          %ge3A = arith.constant 1 : i32
          %ge3A_228 = arith.cmpi sge, %scan3A_90, %ge3A : i32
          %convert_element_type3A_229 = arith.extui %ge3A_228 : i1 to i32
          %cond3A_230 = arith.constant 0 : i32
          %cond3A_231 = arith.cmpi ne, %convert_element_type3A_229, %cond3A_230 : i32
          scf.if %cond3A_231 {
            %dma_wait3A_242 = arith.constant 0 : i32
            %dma_wait3A_243 = arith.constant 0 : i32
            %dma_wait3A_244 = tpu.memref_slice %arg7[%dma_wait3A_242, %dma_wait3A_243] : memref<79x128xi32, #tpu.memory_space<vmem>> -> memref<1x128xi32, #tpu.memory_space<vmem>>
            %dma_wait3A_245 = tpu.memref_squeeze %dma_wait3A_244 : memref<1x128xi32, #tpu.memory_space<vmem>> -> memref<128xi32, #tpu.memory_space<vmem>>
            %dma_wait3A_246 = arith.constant 0 : i32
            %dma_wait3A_247 = arith.constant 0 : i32
            %dma_wait3A_248 = tpu.memref_slice %arg14[%dma_wait3A_246, %dma_wait3A_247] : memref<10128x40xf32, #tpu.memory_space<vmem_shared>> -> memref<10128x40xf32, #tpu.memory_space<vmem_shared>>
            tpu.wait_indirect_dma semaphore(%arg21 : memref<!tpu.dma_semaphore, #tpu.memory_space<semaphore_mem>>) src(%arg8 : memref<128x40xf32, #tpu.memory_space<vmem>>) dst(%dma_wait3A_248 : memref<10128x40xf32, #tpu.memory_space<vmem_shared>>)
          } else {
          }
          %add3A_232 = arith.constant 6 : i32
          %add3A_233 = arith.addi %scan3A_90, %add3A_232 : i32
          %sub3A_234 = arith.constant 1 : i32
          %sub3A_235 = arith.subi %add3A_233, %sub3A_234 : i32
          %dma_start3A_236 = arith.constant 0 : i32
          %dma_start3A_237 = tpu.memref_slice %arg6[%sub3A_235, %dma_start3A_236] : memref<79x128xi32, #tpu.memory_space<vmem>> -> memref<1x128xi32, #tpu.memory_space<vmem>>
          %dma_start3A_238 = tpu.memref_squeeze %dma_start3A_237 : memref<1x128xi32, #tpu.memory_space<vmem>> -> memref<128xi32, #tpu.memory_space<vmem>>
          %dma_start3A_239 = arith.constant 0 : i32
          %dma_start3A_240 = arith.constant 0 : i32
          %dma_start3A_241 = tpu.memref_slice %arg2[%dma_start3A_239, %dma_start3A_240] : memref<10000x40xf32, #tpu.memory_space<hbm>> -> memref<10000x40xf32, #tpu.memory_space<hbm>>
          tpu.enqueue_indirect_dma source(%dma_start3A_241 : memref<10000x40xf32, #tpu.memory_space<hbm>>) target(%arg8 : memref<128x40xf32, #tpu.memory_space<vmem>>) offsets(%dma_start3A_238 : memref<128xi32, #tpu.memory_space<vmem>>) semaphore(%arg15 : memref<!tpu.dma_semaphore, #tpu.memory_space<semaphore_mem>>)
        } else {
        }
        %dma_start3A_222 = arith.constant 0 : i32
        %dma_start3A_223 = tpu.memref_slice %arg7[%scan3A_90, %dma_start3A_222] : memref<79x128xi32, #tpu.memory_space<vmem>> -> memref<1x128xi32, #tpu.memory_space<vmem>>
        %dma_start3A_224 = tpu.memref_squeeze %dma_start3A_223 : memref<1x128xi32, #tpu.memory_space<vmem>> -> memref<128xi32, #tpu.memory_space<vmem>>
        %dma_start3A_225 = arith.constant 0 : i32
        %dma_start3A_226 = arith.constant 0 : i32
        %dma_start3A_227 = tpu.memref_slice %arg14[%dma_start3A_225, %dma_start3A_226] : memref<10128x40xf32, #tpu.memory_space<vmem_shared>> -> memref<10128x40xf32, #tpu.memory_space<vmem_shared>>
        tpu.enqueue_indirect_dma source(%arg9 : memref<128x40xf32, #tpu.memory_space<vmem>>) target(%dma_start3A_227 : memref<10128x40xf32, #tpu.memory_space<vmem_shared>>) offsets(%dma_start3A_224 : memref<128xi32, #tpu.memory_space<vmem>>) semaphore(%arg22 : memref<!tpu.dma_semaphore, #tpu.memory_space<semaphore_mem>>) {add = true}
      } else {
      }
      %jit3A_124 = arith.constant 6 : i32
      %eq3A_125 = arith.constant 0 : i32
      %eq3A_126 = arith.cmpi eq, %jit3A_124, %eq3A_125 : i32
      %jit3A_127 = arith.constant 1 : i32
      %select_n3A_128 = arith.select %eq3A_126, %jit3A_127, %jit3A_124 : i32
      %rem3A_129 = arith.remsi %scan3A_90, %select_n3A_128 : i32
      %ne3A_130 = arith.constant 0 : i32
      %ne3A_131 = arith.cmpi ne, %rem3A_129, %ne3A_130 : i32
      %lt3A_132 = arith.constant 0 : i32
      %lt3A_133 = arith.cmpi slt, %rem3A_129, %lt3A_132 : i32
      %lt3A_134 = arith.constant 0 : i32
      %lt3A_135 = arith.cmpi slt, %select_n3A_128, %lt3A_134 : i32
      %ne3A_136 = arith.xori %lt3A_133, %lt3A_135 : i1
      %and3A_137 = arith.andi %ne3A_136, %ne3A_131 : i1
      %add3A_138 = arith.addi %rem3A_129, %select_n3A_128 : i32
      %select_n3A_139 = arith.select %and3A_137, %add3A_138, %rem3A_129 : i32
      %eq3A_140 = arith.constant 2 : i32
      %eq3A_141 = arith.cmpi eq, %select_n3A_139, %eq3A_140 : i32
      %convert_element_type3A_142 = arith.extui %eq3A_141 : i1 to i32
      %cond3A_143 = arith.constant 0 : i32
      %cond3A_144 = arith.cmpi ne, %convert_element_type3A_142, %cond3A_143 : i32
      scf.if %cond3A_144 {
        %dma_wait3A_208 = arith.constant 0 : i32
        %dma_wait3A_209 = tpu.memref_slice %arg6[%scan3A_90, %dma_wait3A_208] : memref<79x128xi32, #tpu.memory_space<vmem>> -> memref<1x128xi32, #tpu.memory_space<vmem>>
        %dma_wait3A_210 = tpu.memref_squeeze %dma_wait3A_209 : memref<1x128xi32, #tpu.memory_space<vmem>> -> memref<128xi32, #tpu.memory_space<vmem>>
        %dma_wait3A_211 = arith.constant 0 : i32
        %dma_wait3A_212 = arith.constant 0 : i32
        %dma_wait3A_213 = tpu.memref_slice %arg2[%dma_wait3A_211, %dma_wait3A_212] : memref<10000x40xf32, #tpu.memory_space<hbm>> -> memref<10000x40xf32, #tpu.memory_space<hbm>>
        tpu.wait_indirect_dma semaphore(%arg17 : memref<!tpu.dma_semaphore, #tpu.memory_space<semaphore_mem>>) src(%dma_wait3A_213 : memref<10000x40xf32, #tpu.memory_space<hbm>>) dst(%arg10 : memref<128x40xf32, #tpu.memory_space<vmem>>)
        %add3A_214 = arith.constant 6 : i32
        %add3A_215 = arith.addi %scan3A_90, %add3A_214 : i32
        %sub3A = arith.constant 1 : i32
        %sub3A_216 = arith.subi %add3A_215, %sub3A : i32
        %lt3A_217 = arith.constant 79 : i32
        %lt3A_218 = arith.cmpi slt, %sub3A_216, %lt3A_217 : i32
        %convert_element_type3A_219 = arith.extui %lt3A_218 : i1 to i32
        %cond3A_220 = arith.constant 0 : i32
        %cond3A_221 = arith.cmpi ne, %convert_element_type3A_219, %cond3A_220 : i32
        scf.if %cond3A_221 {
          %ge3A = arith.constant 1 : i32
          %ge3A_228 = arith.cmpi sge, %scan3A_90, %ge3A : i32
          %convert_element_type3A_229 = arith.extui %ge3A_228 : i1 to i32
          %cond3A_230 = arith.constant 0 : i32
          %cond3A_231 = arith.cmpi ne, %convert_element_type3A_229, %cond3A_230 : i32
          scf.if %cond3A_231 {
            %dma_wait3A_242 = arith.constant 0 : i32
            %dma_wait3A_243 = arith.constant 0 : i32
            %dma_wait3A_244 = tpu.memref_slice %arg7[%dma_wait3A_242, %dma_wait3A_243] : memref<79x128xi32, #tpu.memory_space<vmem>> -> memref<1x128xi32, #tpu.memory_space<vmem>>
            %dma_wait3A_245 = tpu.memref_squeeze %dma_wait3A_244 : memref<1x128xi32, #tpu.memory_space<vmem>> -> memref<128xi32, #tpu.memory_space<vmem>>
            %dma_wait3A_246 = arith.constant 0 : i32
            %dma_wait3A_247 = arith.constant 0 : i32
            %dma_wait3A_248 = tpu.memref_slice %arg14[%dma_wait3A_246, %dma_wait3A_247] : memref<10128x40xf32, #tpu.memory_space<vmem_shared>> -> memref<10128x40xf32, #tpu.memory_space<vmem_shared>>
            tpu.wait_indirect_dma semaphore(%arg22 : memref<!tpu.dma_semaphore, #tpu.memory_space<semaphore_mem>>) src(%arg9 : memref<128x40xf32, #tpu.memory_space<vmem>>) dst(%dma_wait3A_248 : memref<10128x40xf32, #tpu.memory_space<vmem_shared>>)
          } else {
          }
          %add3A_232 = arith.constant 6 : i32
          %add3A_233 = arith.addi %scan3A_90, %add3A_232 : i32
          %sub3A_234 = arith.constant 1 : i32
          %sub3A_235 = arith.subi %add3A_233, %sub3A_234 : i32
          %dma_start3A_236 = arith.constant 0 : i32
          %dma_start3A_237 = tpu.memref_slice %arg6[%sub3A_235, %dma_start3A_236] : memref<79x128xi32, #tpu.memory_space<vmem>> -> memref<1x128xi32, #tpu.memory_space<vmem>>
          %dma_start3A_238 = tpu.memref_squeeze %dma_start3A_237 : memref<1x128xi32, #tpu.memory_space<vmem>> -> memref<128xi32, #tpu.memory_space<vmem>>
          %dma_start3A_239 = arith.constant 0 : i32
          %dma_start3A_240 = arith.constant 0 : i32
          %dma_start3A_241 = tpu.memref_slice %arg2[%dma_start3A_239, %dma_start3A_240] : memref<10000x40xf32, #tpu.memory_space<hbm>> -> memref<10000x40xf32, #tpu.memory_space<hbm>>
          tpu.enqueue_indirect_dma source(%dma_start3A_241 : memref<10000x40xf32, #tpu.memory_space<hbm>>) target(%arg9 : memref<128x40xf32, #tpu.memory_space<vmem>>) offsets(%dma_start3A_238 : memref<128xi32, #tpu.memory_space<vmem>>) semaphore(%arg16 : memref<!tpu.dma_semaphore, #tpu.memory_space<semaphore_mem>>)
        } else {
        }
        %dma_start3A_222 = arith.constant 0 : i32
        %dma_start3A_223 = tpu.memref_slice %arg7[%scan3A_90, %dma_start3A_222] : memref<79x128xi32, #tpu.memory_space<vmem>> -> memref<1x128xi32, #tpu.memory_space<vmem>>
        %dma_start3A_224 = tpu.memref_squeeze %dma_start3A_223 : memref<1x128xi32, #tpu.memory_space<vmem>> -> memref<128xi32, #tpu.memory_space<vmem>>
        %dma_start3A_225 = arith.constant 0 : i32
        %dma_start3A_226 = arith.constant 0 : i32
        %dma_start3A_227 = tpu.memref_slice %arg14[%dma_start3A_225, %dma_start3A_226] : memref<10128x40xf32, #tpu.memory_space<vmem_shared>> -> memref<10128x40xf32, #tpu.memory_space<vmem_shared>>
        tpu.enqueue_indirect_dma source(%arg10 : memref<128x40xf32, #tpu.memory_space<vmem>>) target(%dma_start3A_227 : memref<10128x40xf32, #tpu.memory_space<vmem_shared>>) offsets(%dma_start3A_224 : memref<128xi32, #tpu.memory_space<vmem>>) semaphore(%arg23 : memref<!tpu.dma_semaphore, #tpu.memory_space<semaphore_mem>>) {add = true}
      } else {
      }
      %jit3A_145 = arith.constant 6 : i32
      %eq3A_146 = arith.constant 0 : i32
      %eq3A_147 = arith.cmpi eq, %jit3A_145, %eq3A_146 : i32
      %jit3A_148 = arith.constant 1 : i32
      %select_n3A_149 = arith.select %eq3A_147, %jit3A_148, %jit3A_145 : i32
      %rem3A_150 = arith.remsi %scan3A_90, %select_n3A_149 : i32
      %ne3A_151 = arith.constant 0 : i32
      %ne3A_152 = arith.cmpi ne, %rem3A_150, %ne3A_151 : i32
      %lt3A_153 = arith.constant 0 : i32
      %lt3A_154 = arith.cmpi slt, %rem3A_150, %lt3A_153 : i32
      %lt3A_155 = arith.constant 0 : i32
      %lt3A_156 = arith.cmpi slt, %select_n3A_149, %lt3A_155 : i32
      %ne3A_157 = arith.xori %lt3A_154, %lt3A_156 : i1
      %and3A_158 = arith.andi %ne3A_157, %ne3A_152 : i1
      %add3A_159 = arith.addi %rem3A_150, %select_n3A_149 : i32
      %select_n3A_160 = arith.select %and3A_158, %add3A_159, %rem3A_150 : i32
      %eq3A_161 = arith.constant 3 : i32
      %eq3A_162 = arith.cmpi eq, %select_n3A_160, %eq3A_161 : i32
      %convert_element_type3A_163 = arith.extui %eq3A_162 : i1 to i32
      %cond3A_164 = arith.constant 0 : i32
      %cond3A_165 = arith.cmpi ne, %convert_element_type3A_163, %cond3A_164 : i32
      scf.if %cond3A_165 {
        %dma_wait3A_208 = arith.constant 0 : i32
        %dma_wait3A_209 = tpu.memref_slice %arg6[%scan3A_90, %dma_wait3A_208] : memref<79x128xi32, #tpu.memory_space<vmem>> -> memref<1x128xi32, #tpu.memory_space<vmem>>
        %dma_wait3A_210 = tpu.memref_squeeze %dma_wait3A_209 : memref<1x128xi32, #tpu.memory_space<vmem>> -> memref<128xi32, #tpu.memory_space<vmem>>
        %dma_wait3A_211 = arith.constant 0 : i32
        %dma_wait3A_212 = arith.constant 0 : i32
        %dma_wait3A_213 = tpu.memref_slice %arg2[%dma_wait3A_211, %dma_wait3A_212] : memref<10000x40xf32, #tpu.memory_space<hbm>> -> memref<10000x40xf32, #tpu.memory_space<hbm>>
        tpu.wait_indirect_dma semaphore(%arg18 : memref<!tpu.dma_semaphore, #tpu.memory_space<semaphore_mem>>) src(%dma_wait3A_213 : memref<10000x40xf32, #tpu.memory_space<hbm>>) dst(%arg11 : memref<128x40xf32, #tpu.memory_space<vmem>>)
        %add3A_214 = arith.constant 6 : i32
        %add3A_215 = arith.addi %scan3A_90, %add3A_214 : i32
        %sub3A = arith.constant 1 : i32
        %sub3A_216 = arith.subi %add3A_215, %sub3A : i32
        %lt3A_217 = arith.constant 79 : i32
        %lt3A_218 = arith.cmpi slt, %sub3A_216, %lt3A_217 : i32
        %convert_element_type3A_219 = arith.extui %lt3A_218 : i1 to i32
        %cond3A_220 = arith.constant 0 : i32
        %cond3A_221 = arith.cmpi ne, %convert_element_type3A_219, %cond3A_220 : i32
        scf.if %cond3A_221 {
          %ge3A = arith.constant 1 : i32
          %ge3A_228 = arith.cmpi sge, %scan3A_90, %ge3A : i32
          %convert_element_type3A_229 = arith.extui %ge3A_228 : i1 to i32
          %cond3A_230 = arith.constant 0 : i32
          %cond3A_231 = arith.cmpi ne, %convert_element_type3A_229, %cond3A_230 : i32
          scf.if %cond3A_231 {
            %dma_wait3A_242 = arith.constant 0 : i32
            %dma_wait3A_243 = arith.constant 0 : i32
            %dma_wait3A_244 = tpu.memref_slice %arg7[%dma_wait3A_242, %dma_wait3A_243] : memref<79x128xi32, #tpu.memory_space<vmem>> -> memref<1x128xi32, #tpu.memory_space<vmem>>
            %dma_wait3A_245 = tpu.memref_squeeze %dma_wait3A_244 : memref<1x128xi32, #tpu.memory_space<vmem>> -> memref<128xi32, #tpu.memory_space<vmem>>
            %dma_wait3A_246 = arith.constant 0 : i32
            %dma_wait3A_247 = arith.constant 0 : i32
            %dma_wait3A_248 = tpu.memref_slice %arg14[%dma_wait3A_246, %dma_wait3A_247] : memref<10128x40xf32, #tpu.memory_space<vmem_shared>> -> memref<10128x40xf32, #tpu.memory_space<vmem_shared>>
            tpu.wait_indirect_dma semaphore(%arg23 : memref<!tpu.dma_semaphore, #tpu.memory_space<semaphore_mem>>) src(%arg10 : memref<128x40xf32, #tpu.memory_space<vmem>>) dst(%dma_wait3A_248 : memref<10128x40xf32, #tpu.memory_space<vmem_shared>>)
          } else {
          }
          %add3A_232 = arith.constant 6 : i32
          %add3A_233 = arith.addi %scan3A_90, %add3A_232 : i32
          %sub3A_234 = arith.constant 1 : i32
          %sub3A_235 = arith.subi %add3A_233, %sub3A_234 : i32
          %dma_start3A_236 = arith.constant 0 : i32
          %dma_start3A_237 = tpu.memref_slice %arg6[%sub3A_235, %dma_start3A_236] : memref<79x128xi32, #tpu.memory_space<vmem>> -> memref<1x128xi32, #tpu.memory_space<vmem>>
          %dma_start3A_238 = tpu.memref_squeeze %dma_start3A_237 : memref<1x128xi32, #tpu.memory_space<vmem>> -> memref<128xi32, #tpu.memory_space<vmem>>
          %dma_start3A_239 = arith.constant 0 : i32
          %dma_start3A_240 = arith.constant 0 : i32
          %dma_start3A_241 = tpu.memref_slice %arg2[%dma_start3A_239, %dma_start3A_240] : memref<10000x40xf32, #tpu.memory_space<hbm>> -> memref<10000x40xf32, #tpu.memory_space<hbm>>
          tpu.enqueue_indirect_dma source(%dma_start3A_241 : memref<10000x40xf32, #tpu.memory_space<hbm>>) target(%arg10 : memref<128x40xf32, #tpu.memory_space<vmem>>) offsets(%dma_start3A_238 : memref<128xi32, #tpu.memory_space<vmem>>) semaphore(%arg17 : memref<!tpu.dma_semaphore, #tpu.memory_space<semaphore_mem>>)
        } else {
        }
        %dma_start3A_222 = arith.constant 0 : i32
        %dma_start3A_223 = tpu.memref_slice %arg7[%scan3A_90, %dma_start3A_222] : memref<79x128xi32, #tpu.memory_space<vmem>> -> memref<1x128xi32, #tpu.memory_space<vmem>>
        %dma_start3A_224 = tpu.memref_squeeze %dma_start3A_223 : memref<1x128xi32, #tpu.memory_space<vmem>> -> memref<128xi32, #tpu.memory_space<vmem>>
        %dma_start3A_225 = arith.constant 0 : i32
        %dma_start3A_226 = arith.constant 0 : i32
        %dma_start3A_227 = tpu.memref_slice %arg14[%dma_start3A_225, %dma_start3A_226] : memref<10128x40xf32, #tpu.memory_space<vmem_shared>> -> memref<10128x40xf32, #tpu.memory_space<vmem_shared>>
        tpu.enqueue_indirect_dma source(%arg11 : memref<128x40xf32, #tpu.memory_space<vmem>>) target(%dma_start3A_227 : memref<10128x40xf32, #tpu.memory_space<vmem_shared>>) offsets(%dma_start3A_224 : memref<128xi32, #tpu.memory_space<vmem>>) semaphore(%arg24 : memref<!tpu.dma_semaphore, #tpu.memory_space<semaphore_mem>>) {add = true}
      } else {
      }
      %jit3A_166 = arith.constant 6 : i32
      %eq3A_167 = arith.constant 0 : i32
      %eq3A_168 = arith.cmpi eq, %jit3A_166, %eq3A_167 : i32
      %jit3A_169 = arith.constant 1 : i32
      %select_n3A_170 = arith.select %eq3A_168, %jit3A_169, %jit3A_166 : i32
      %rem3A_171 = arith.remsi %scan3A_90, %select_n3A_170 : i32
      %ne3A_172 = arith.constant 0 : i32
      %ne3A_173 = arith.cmpi ne, %rem3A_171, %ne3A_172 : i32
      %lt3A_174 = arith.constant 0 : i32
      %lt3A_175 = arith.cmpi slt, %rem3A_171, %lt3A_174 : i32
      %lt3A_176 = arith.constant 0 : i32
      %lt3A_177 = arith.cmpi slt, %select_n3A_170, %lt3A_176 : i32
      %ne3A_178 = arith.xori %lt3A_175, %lt3A_177 : i1
      %and3A_179 = arith.andi %ne3A_178, %ne3A_173 : i1
      %add3A_180 = arith.addi %rem3A_171, %select_n3A_170 : i32
      %select_n3A_181 = arith.select %and3A_179, %add3A_180, %rem3A_171 : i32
      %eq3A_182 = arith.constant 4 : i32
      %eq3A_183 = arith.cmpi eq, %select_n3A_181, %eq3A_182 : i32
      %convert_element_type3A_184 = arith.extui %eq3A_183 : i1 to i32
      %cond3A_185 = arith.constant 0 : i32
      %cond3A_186 = arith.cmpi ne, %convert_element_type3A_184, %cond3A_185 : i32
      scf.if %cond3A_186 {
        %dma_wait3A_208 = arith.constant 0 : i32
        %dma_wait3A_209 = tpu.memref_slice %arg6[%scan3A_90, %dma_wait3A_208] : memref<79x128xi32, #tpu.memory_space<vmem>> -> memref<1x128xi32, #tpu.memory_space<vmem>>
        %dma_wait3A_210 = tpu.memref_squeeze %dma_wait3A_209 : memref<1x128xi32, #tpu.memory_space<vmem>> -> memref<128xi32, #tpu.memory_space<vmem>>
        %dma_wait3A_211 = arith.constant 0 : i32
        %dma_wait3A_212 = arith.constant 0 : i32
        %dma_wait3A_213 = tpu.memref_slice %arg2[%dma_wait3A_211, %dma_wait3A_212] : memref<10000x40xf32, #tpu.memory_space<hbm>> -> memref<10000x40xf32, #tpu.memory_space<hbm>>
        tpu.wait_indirect_dma semaphore(%arg19 : memref<!tpu.dma_semaphore, #tpu.memory_space<semaphore_mem>>) src(%dma_wait3A_213 : memref<10000x40xf32, #tpu.memory_space<hbm>>) dst(%arg12 : memref<128x40xf32, #tpu.memory_space<vmem>>)
        %add3A_214 = arith.constant 6 : i32
        %add3A_215 = arith.addi %scan3A_90, %add3A_214 : i32
        %sub3A = arith.constant 1 : i32
        %sub3A_216 = arith.subi %add3A_215, %sub3A : i32
        %lt3A_217 = arith.constant 79 : i32
        %lt3A_218 = arith.cmpi slt, %sub3A_216, %lt3A_217 : i32
        %convert_element_type3A_219 = arith.extui %lt3A_218 : i1 to i32
        %cond3A_220 = arith.constant 0 : i32
        %cond3A_221 = arith.cmpi ne, %convert_element_type3A_219, %cond3A_220 : i32
        scf.if %cond3A_221 {
          %ge3A = arith.constant 1 : i32
          %ge3A_228 = arith.cmpi sge, %scan3A_90, %ge3A : i32
          %convert_element_type3A_229 = arith.extui %ge3A_228 : i1 to i32
          %cond3A_230 = arith.constant 0 : i32
          %cond3A_231 = arith.cmpi ne, %convert_element_type3A_229, %cond3A_230 : i32
          scf.if %cond3A_231 {
            %dma_wait3A_242 = arith.constant 0 : i32
            %dma_wait3A_243 = arith.constant 0 : i32
            %dma_wait3A_244 = tpu.memref_slice %arg7[%dma_wait3A_242, %dma_wait3A_243] : memref<79x128xi32, #tpu.memory_space<vmem>> -> memref<1x128xi32, #tpu.memory_space<vmem>>
            %dma_wait3A_245 = tpu.memref_squeeze %dma_wait3A_244 : memref<1x128xi32, #tpu.memory_space<vmem>> -> memref<128xi32, #tpu.memory_space<vmem>>
            %dma_wait3A_246 = arith.constant 0 : i32
            %dma_wait3A_247 = arith.constant 0 : i32
            %dma_wait3A_248 = tpu.memref_slice %arg14[%dma_wait3A_246, %dma_wait3A_247] : memref<10128x40xf32, #tpu.memory_space<vmem_shared>> -> memref<10128x40xf32, #tpu.memory_space<vmem_shared>>
            tpu.wait_indirect_dma semaphore(%arg24 : memref<!tpu.dma_semaphore, #tpu.memory_space<semaphore_mem>>) src(%arg11 : memref<128x40xf32, #tpu.memory_space<vmem>>) dst(%dma_wait3A_248 : memref<10128x40xf32, #tpu.memory_space<vmem_shared>>)
          } else {
          }
          %add3A_232 = arith.constant 6 : i32
          %add3A_233 = arith.addi %scan3A_90, %add3A_232 : i32
          %sub3A_234 = arith.constant 1 : i32
          %sub3A_235 = arith.subi %add3A_233, %sub3A_234 : i32
          %dma_start3A_236 = arith.constant 0 : i32
          %dma_start3A_237 = tpu.memref_slice %arg6[%sub3A_235, %dma_start3A_236] : memref<79x128xi32, #tpu.memory_space<vmem>> -> memref<1x128xi32, #tpu.memory_space<vmem>>
          %dma_start3A_238 = tpu.memref_squeeze %dma_start3A_237 : memref<1x128xi32, #tpu.memory_space<vmem>> -> memref<128xi32, #tpu.memory_space<vmem>>
          %dma_start3A_239 = arith.constant 0 : i32
          %dma_start3A_240 = arith.constant 0 : i32
          %dma_start3A_241 = tpu.memref_slice %arg2[%dma_start3A_239, %dma_start3A_240] : memref<10000x40xf32, #tpu.memory_space<hbm>> -> memref<10000x40xf32, #tpu.memory_space<hbm>>
          tpu.enqueue_indirect_dma source(%dma_start3A_241 : memref<10000x40xf32, #tpu.memory_space<hbm>>) target(%arg11 : memref<128x40xf32, #tpu.memory_space<vmem>>) offsets(%dma_start3A_238 : memref<128xi32, #tpu.memory_space<vmem>>) semaphore(%arg18 : memref<!tpu.dma_semaphore, #tpu.memory_space<semaphore_mem>>)
        } else {
        }
        %dma_start3A_222 = arith.constant 0 : i32
        %dma_start3A_223 = tpu.memref_slice %arg7[%scan3A_90, %dma_start3A_222] : memref<79x128xi32, #tpu.memory_space<vmem>> -> memref<1x128xi32, #tpu.memory_space<vmem>>
        %dma_start3A_224 = tpu.memref_squeeze %dma_start3A_223 : memref<1x128xi32, #tpu.memory_space<vmem>> -> memref<128xi32, #tpu.memory_space<vmem>>
        %dma_start3A_225 = arith.constant 0 : i32
        %dma_start3A_226 = arith.constant 0 : i32
        %dma_start3A_227 = tpu.memref_slice %arg14[%dma_start3A_225, %dma_start3A_226] : memref<10128x40xf32, #tpu.memory_space<vmem_shared>> -> memref<10128x40xf32, #tpu.memory_space<vmem_shared>>
        tpu.enqueue_indirect_dma source(%arg12 : memref<128x40xf32, #tpu.memory_space<vmem>>) target(%dma_start3A_227 : memref<10128x40xf32, #tpu.memory_space<vmem_shared>>) offsets(%dma_start3A_224 : memref<128xi32, #tpu.memory_space<vmem>>) semaphore(%arg25 : memref<!tpu.dma_semaphore, #tpu.memory_space<semaphore_mem>>) {add = true}
      } else {
      }
      %jit3A_187 = arith.constant 6 : i32
      %eq3A_188 = arith.constant 0 : i32
      %eq3A_189 = arith.cmpi eq, %jit3A_187, %eq3A_188 : i32
      %jit3A_190 = arith.constant 1 : i32
      %select_n3A_191 = arith.select %eq3A_189, %jit3A_190, %jit3A_187 : i32
      %rem3A_192 = arith.remsi %scan3A_90, %select_n3A_191 : i32
      %ne3A_193 = arith.constant 0 : i32
      %ne3A_194 = arith.cmpi ne, %rem3A_192, %ne3A_193 : i32
      %lt3A_195 = arith.constant 0 : i32
      %lt3A_196 = arith.cmpi slt, %rem3A_192, %lt3A_195 : i32
      %lt3A_197 = arith.constant 0 : i32
      %lt3A_198 = arith.cmpi slt, %select_n3A_191, %lt3A_197 : i32
      %ne3A_199 = arith.xori %lt3A_196, %lt3A_198 : i1
      %and3A_200 = arith.andi %ne3A_199, %ne3A_194 : i1
      %add3A_201 = arith.addi %rem3A_192, %select_n3A_191 : i32
      %select_n3A_202 = arith.select %and3A_200, %add3A_201, %rem3A_192 : i32
      %eq3A_203 = arith.constant 5 : i32
      %eq3A_204 = arith.cmpi eq, %select_n3A_202, %eq3A_203 : i32
      %convert_element_type3A_205 = arith.extui %eq3A_204 : i1 to i32
      %cond3A_206 = arith.constant 0 : i32
      %cond3A_207 = arith.cmpi ne, %convert_element_type3A_205, %cond3A_206 : i32
      scf.if %cond3A_207 {
        %dma_wait3A_208 = arith.constant 0 : i32
        %dma_wait3A_209 = tpu.memref_slice %arg6[%scan3A_90, %dma_wait3A_208] : memref<79x128xi32, #tpu.memory_space<vmem>> -> memref<1x128xi32, #tpu.memory_space<vmem>>
        %dma_wait3A_210 = tpu.memref_squeeze %dma_wait3A_209 : memref<1x128xi32, #tpu.memory_space<vmem>> -> memref<128xi32, #tpu.memory_space<vmem>>
        %dma_wait3A_211 = arith.constant 0 : i32
        %dma_wait3A_212 = arith.constant 0 : i32
        %dma_wait3A_213 = tpu.memref_slice %arg2[%dma_wait3A_211, %dma_wait3A_212] : memref<10000x40xf32, #tpu.memory_space<hbm>> -> memref<10000x40xf32, #tpu.memory_space<hbm>>
        tpu.wait_indirect_dma semaphore(%arg20 : memref<!tpu.dma_semaphore, #tpu.memory_space<semaphore_mem>>) src(%dma_wait3A_213 : memref<10000x40xf32, #tpu.memory_space<hbm>>) dst(%arg13 : memref<128x40xf32, #tpu.memory_space<vmem>>)
        %add3A_214 = arith.constant 6 : i32
        %add3A_215 = arith.addi %scan3A_90, %add3A_214 : i32
        %sub3A = arith.constant 1 : i32
        %sub3A_216 = arith.subi %add3A_215, %sub3A : i32
        %lt3A_217 = arith.constant 79 : i32
        %lt3A_218 = arith.cmpi slt, %sub3A_216, %lt3A_217 : i32
        %convert_element_type3A_219 = arith.extui %lt3A_218 : i1 to i32
        %cond3A_220 = arith.constant 0 : i32
        %cond3A_221 = arith.cmpi ne, %convert_element_type3A_219, %cond3A_220 : i32
        scf.if %cond3A_221 {
          %ge3A = arith.constant 1 : i32
          %ge3A_228 = arith.cmpi sge, %scan3A_90, %ge3A : i32
          %convert_element_type3A_229 = arith.extui %ge3A_228 : i1 to i32
          %cond3A_230 = arith.constant 0 : i32
          %cond3A_231 = arith.cmpi ne, %convert_element_type3A_229, %cond3A_230 : i32
          scf.if %cond3A_231 {
            %dma_wait3A_242 = arith.constant 0 : i32
            %dma_wait3A_243 = arith.constant 0 : i32
            %dma_wait3A_244 = tpu.memref_slice %arg7[%dma_wait3A_242, %dma_wait3A_243] : memref<79x128xi32, #tpu.memory_space<vmem>> -> memref<1x128xi32, #tpu.memory_space<vmem>>
            %dma_wait3A_245 = tpu.memref_squeeze %dma_wait3A_244 : memref<1x128xi32, #tpu.memory_space<vmem>> -> memref<128xi32, #tpu.memory_space<vmem>>
            %dma_wait3A_246 = arith.constant 0 : i32
            %dma_wait3A_247 = arith.constant 0 : i32
            %dma_wait3A_248 = tpu.memref_slice %arg14[%dma_wait3A_246, %dma_wait3A_247] : memref<10128x40xf32, #tpu.memory_space<vmem_shared>> -> memref<10128x40xf32, #tpu.memory_space<vmem_shared>>
            tpu.wait_indirect_dma semaphore(%arg25 : memref<!tpu.dma_semaphore, #tpu.memory_space<semaphore_mem>>) src(%arg12 : memref<128x40xf32, #tpu.memory_space<vmem>>) dst(%dma_wait3A_248 : memref<10128x40xf32, #tpu.memory_space<vmem_shared>>)
          } else {
          }
          %add3A_232 = arith.constant 6 : i32
          %add3A_233 = arith.addi %scan3A_90, %add3A_232 : i32
          %sub3A_234 = arith.constant 1 : i32
          %sub3A_235 = arith.subi %add3A_233, %sub3A_234 : i32
          %dma_start3A_236 = arith.constant 0 : i32
          %dma_start3A_237 = tpu.memref_slice %arg6[%sub3A_235, %dma_start3A_236] : memref<79x128xi32, #tpu.memory_space<vmem>> -> memref<1x128xi32, #tpu.memory_space<vmem>>
          %dma_start3A_238 = tpu.memref_squeeze %dma_start3A_237 : memref<1x128xi32, #tpu.memory_space<vmem>> -> memref<128xi32, #tpu.memory_space<vmem>>
          %dma_start3A_239 = arith.constant 0 : i32
          %dma_start3A_240 = arith.constant 0 : i32
          %dma_start3A_241 = tpu.memref_slice %arg2[%dma_start3A_239, %dma_start3A_240] : memref<10000x40xf32, #tpu.memory_space<hbm>> -> memref<10000x40xf32, #tpu.memory_space<hbm>>
          tpu.enqueue_indirect_dma source(%dma_start3A_241 : memref<10000x40xf32, #tpu.memory_space<hbm>>) target(%arg12 : memref<128x40xf32, #tpu.memory_space<vmem>>) offsets(%dma_start3A_238 : memref<128xi32, #tpu.memory_space<vmem>>) semaphore(%arg19 : memref<!tpu.dma_semaphore, #tpu.memory_space<semaphore_mem>>)
        } else {
        }
        %dma_start3A_222 = arith.constant 0 : i32
        %dma_start3A_223 = tpu.memref_slice %arg7[%scan3A_90, %dma_start3A_222] : memref<79x128xi32, #tpu.memory_space<vmem>> -> memref<1x128xi32, #tpu.memory_space<vmem>>
        %dma_start3A_224 = tpu.memref_squeeze %dma_start3A_223 : memref<1x128xi32, #tpu.memory_space<vmem>> -> memref<128xi32, #tpu.memory_space<vmem>>
        %dma_start3A_225 = arith.constant 0 : i32
        %dma_start3A_226 = arith.constant 0 : i32
        %dma_start3A_227 = tpu.memref_slice %arg14[%dma_start3A_225, %dma_start3A_226] : memref<10128x40xf32, #tpu.memory_space<vmem_shared>> -> memref<10128x40xf32, #tpu.memory_space<vmem_shared>>
        tpu.enqueue_indirect_dma source(%arg13 : memref<128x40xf32, #tpu.memory_space<vmem>>) target(%dma_start3A_227 : memref<10128x40xf32, #tpu.memory_space<vmem_shared>>) offsets(%dma_start3A_224 : memref<128xi32, #tpu.memory_space<vmem>>) semaphore(%arg26 : memref<!tpu.dma_semaphore, #tpu.memory_space<semaphore_mem>>) {add = true}
      } else {
      }
    }
    %scan3A_47 = arith.constant 79 : i32
    %dma_wait3A = arith.constant 0 : i32
    %dma_wait3A_48 = arith.constant 0 : i32
    %dma_wait3A_49 = tpu.memref_slice %arg7[%dma_wait3A, %dma_wait3A_48] : memref<79x128xi32, #tpu.memory_space<vmem>> -> memref<1x128xi32, #tpu.memory_space<vmem>>
    %dma_wait3A_50 = tpu.memref_squeeze %dma_wait3A_49 : memref<1x128xi32, #tpu.memory_space<vmem>> -> memref<128xi32, #tpu.memory_space<vmem>>
    %dma_wait3A_51 = arith.constant 0 : i32
    %dma_wait3A_52 = arith.constant 0 : i32
    %dma_wait3A_53 = tpu.memref_slice %arg14[%dma_wait3A_51, %dma_wait3A_52] : memref<10128x40xf32, #tpu.memory_space<vmem_shared>> -> memref<10128x40xf32, #tpu.memory_space<vmem_shared>>
    tpu.wait_indirect_dma semaphore(%arg21 : memref<!tpu.dma_semaphore, #tpu.memory_space<semaphore_mem>>) src(%arg8 : memref<128x40xf32, #tpu.memory_space<vmem>>) dst(%dma_wait3A_53 : memref<10128x40xf32, #tpu.memory_space<vmem_shared>>)
    %dma_wait3A_54 = arith.constant 0 : i32
    %dma_wait3A_55 = arith.constant 0 : i32
    %dma_wait3A_56 = tpu.memref_slice %arg7[%dma_wait3A_54, %dma_wait3A_55] : memref<79x128xi32, #tpu.memory_space<vmem>> -> memref<1x128xi32, #tpu.memory_space<vmem>>
    %dma_wait3A_57 = tpu.memref_squeeze %dma_wait3A_56 : memref<1x128xi32, #tpu.memory_space<vmem>> -> memref<128xi32, #tpu.memory_space<vmem>>
    %dma_wait3A_58 = arith.constant 0 : i32
    %dma_wait3A_59 = arith.constant 0 : i32
    %dma_wait3A_60 = tpu.memref_slice %arg14[%dma_wait3A_58, %dma_wait3A_59] : memref<10128x40xf32, #tpu.memory_space<vmem_shared>> -> memref<10128x40xf32, #tpu.memory_space<vmem_shared>>
    tpu.wait_indirect_dma semaphore(%arg22 : memref<!tpu.dma_semaphore, #tpu.memory_space<semaphore_mem>>) src(%arg9 : memref<128x40xf32, #tpu.memory_space<vmem>>) dst(%dma_wait3A_60 : memref<10128x40xf32, #tpu.memory_space<vmem_shared>>)
    %dma_wait3A_61 = arith.constant 0 : i32
    %dma_wait3A_62 = arith.constant 0 : i32
    %dma_wait3A_63 = tpu.memref_slice %arg7[%dma_wait3A_61, %dma_wait3A_62] : memref<79x128xi32, #tpu.memory_space<vmem>> -> memref<1x128xi32, #tpu.memory_space<vmem>>
    %dma_wait3A_64 = tpu.memref_squeeze %dma_wait3A_63 : memref<1x128xi32, #tpu.memory_space<vmem>> -> memref<128xi32, #tpu.memory_space<vmem>>
    %dma_wait3A_65 = arith.constant 0 : i32
    %dma_wait3A_66 = arith.constant 0 : i32
    %dma_wait3A_67 = tpu.memref_slice %arg14[%dma_wait3A_65, %dma_wait3A_66] : memref<10128x40xf32, #tpu.memory_space<vmem_shared>> -> memref<10128x40xf32, #tpu.memory_space<vmem_shared>>
    tpu.wait_indirect_dma semaphore(%arg23 : memref<!tpu.dma_semaphore, #tpu.memory_space<semaphore_mem>>) src(%arg10 : memref<128x40xf32, #tpu.memory_space<vmem>>) dst(%dma_wait3A_67 : memref<10128x40xf32, #tpu.memory_space<vmem_shared>>)
    %dma_wait3A_68 = arith.constant 0 : i32
    %dma_wait3A_69 = arith.constant 0 : i32
    %dma_wait3A_70 = tpu.memref_slice %arg7[%dma_wait3A_68, %dma_wait3A_69] : memref<79x128xi32, #tpu.memory_space<vmem>> -> memref<1x128xi32, #tpu.memory_space<vmem>>
    %dma_wait3A_71 = tpu.memref_squeeze %dma_wait3A_70 : memref<1x128xi32, #tpu.memory_space<vmem>> -> memref<128xi32, #tpu.memory_space<vmem>>
    %dma_wait3A_72 = arith.constant 0 : i32
    %dma_wait3A_73 = arith.constant 0 : i32
    %dma_wait3A_74 = tpu.memref_slice %arg14[%dma_wait3A_72, %dma_wait3A_73] : memref<10128x40xf32, #tpu.memory_space<vmem_shared>> -> memref<10128x40xf32, #tpu.memory_space<vmem_shared>>
    tpu.wait_indirect_dma semaphore(%arg24 : memref<!tpu.dma_semaphore, #tpu.memory_space<semaphore_mem>>) src(%arg11 : memref<128x40xf32, #tpu.memory_space<vmem>>) dst(%dma_wait3A_74 : memref<10128x40xf32, #tpu.memory_space<vmem_shared>>)
    %dma_wait3A_75 = arith.constant 0 : i32
    %dma_wait3A_76 = arith.constant 0 : i32
    %dma_wait3A_77 = tpu.memref_slice %arg7[%dma_wait3A_75, %dma_wait3A_76] : memref<79x128xi32, #tpu.memory_space<vmem>> -> memref<1x128xi32, #tpu.memory_space<vmem>>
    %dma_wait3A_78 = tpu.memref_squeeze %dma_wait3A_77 : memref<1x128xi32, #tpu.memory_space<vmem>> -> memref<128xi32, #tpu.memory_space<vmem>>
    %dma_wait3A_79 = arith.constant 0 : i32
    %dma_wait3A_80 = arith.constant 0 : i32
    %dma_wait3A_81 = tpu.memref_slice %arg14[%dma_wait3A_79, %dma_wait3A_80] : memref<10128x40xf32, #tpu.memory_space<vmem_shared>> -> memref<10128x40xf32, #tpu.memory_space<vmem_shared>>
    tpu.wait_indirect_dma semaphore(%arg25 : memref<!tpu.dma_semaphore, #tpu.memory_space<semaphore_mem>>) src(%arg12 : memref<128x40xf32, #tpu.memory_space<vmem>>) dst(%dma_wait3A_81 : memref<10128x40xf32, #tpu.memory_space<vmem_shared>>)
    %dma_wait3A_82 = arith.constant 0 : i32
    %dma_wait3A_83 = arith.constant 0 : i32
    %dma_wait3A_84 = tpu.memref_slice %arg7[%dma_wait3A_82, %dma_wait3A_83] : memref<79x128xi32, #tpu.memory_space<vmem>> -> memref<1x128xi32, #tpu.memory_space<vmem>>
    %dma_wait3A_85 = tpu.memref_squeeze %dma_wait3A_84 : memref<1x128xi32, #tpu.memory_space<vmem>> -> memref<128xi32, #tpu.memory_space<vmem>>
    %dma_wait3A_86 = arith.constant 0 : i32
    %dma_wait3A_87 = arith.constant 0 : i32
    %dma_wait3A_88 = tpu.memref_slice %arg14[%dma_wait3A_86, %dma_wait3A_87] : memref<10128x40xf32, #tpu.memory_space<vmem_shared>> -> memref<10128x40xf32, #tpu.memory_space<vmem_shared>>
    tpu.wait_indirect_dma semaphore(%arg26 : memref<!tpu.dma_semaphore, #tpu.memory_space<semaphore_mem>>) src(%arg13 : memref<128x40xf32, #tpu.memory_space<vmem>>) dst(%dma_wait3A_88 : memref<10128x40xf32, #tpu.memory_space<vmem_shared>>)
    %barrier3A_89 = arith.constant 0 : index
    tpu.barrier barrier_id(%barrier3A_89)
    "tpu.region"() ({
      %run_scoped3A_90 = tpu.sem_alloc : memref<!tpu.dma_semaphore, #tpu.memory_space<semaphore_mem>>
      %dma_start3A_91 = arith.constant 0 : i32
      %dma_start3A_92 = tpu.memref_slice %arg5[%arg0, %min3A_8, %dma_start3A_91] : memref<2x10128x40xf32, #tpu.memory_space<hbm>> -> memref<1x640x40xf32, #tpu.memory_space<hbm>>
      %dma_start3A_93 = tpu.memref_squeeze %dma_start3A_92 : memref<1x640x40xf32, #tpu.memory_space<hbm>> -> memref<640x40xf32, #tpu.memory_space<hbm>>
      %dma_start3A_94 = arith.constant 0 : i32
      %dma_start3A_95 = tpu.memref_slice %arg14[%min3A_8, %dma_start3A_94] : memref<10128x40xf32, #tpu.memory_space<vmem_shared>> -> memref<640x40xf32, #tpu.memory_space<vmem_shared>>
      tpu.enqueue_dma source(%dma_start3A_95 : memref<640x40xf32, #tpu.memory_space<vmem_shared>>) target(%dma_start3A_93 : memref<640x40xf32, #tpu.memory_space<hbm>>) target_semaphore(%run_scoped3A_90 : memref<!tpu.dma_semaphore, #tpu.memory_space<semaphore_mem>>)
      %dma_wait3A_96 = arith.constant 0 : i32
      %dma_wait3A_97 = tpu.memref_slice %arg5[%arg0, %min3A_8, %dma_wait3A_96] : memref<2x10128x40xf32, #tpu.memory_space<hbm>> -> memref<1x640x40xf32, #tpu.memory_space<hbm>>
      %dma_wait3A_98 = tpu.memref_squeeze %dma_wait3A_97 : memref<1x640x40xf32, #tpu.memory_space<hbm>> -> memref<640x40xf32, #tpu.memory_space<hbm>>
      %dma_wait3A_99 = arith.constant 0 : i32
      %dma_wait3A_100 = tpu.memref_slice %arg14[%min3A_8, %dma_wait3A_99] : memref<10128x40xf32, #tpu.memory_space<vmem_shared>> -> memref<640x40xf32, #tpu.memory_space<vmem_shared>>
      tpu.wait_dma2 semaphore(%run_scoped3A_90 : memref<!tpu.dma_semaphore, #tpu.memory_space<semaphore_mem>>) src(%dma_wait3A_100 : memref<640x40xf32, #tpu.memory_space<vmem_shared>>) dst(%dma_wait3A_98 : memref<640x40xf32, #tpu.memory_space<hbm>>)
      tpu.yield
    }) : () -> ()
    return
  }
}

#map = affine_map<(d0, d1) -> (0, 0, 0)>
#map1 = affine_map<(d0, d1) -> (0)>
#map2 = affine_map<(d0, d1) -> (0, 0)>
module attributes {stable_mosaic.version = 14 : i64} {
  func.func @k(%arg0: i32, %arg1: i32, %arg2: memref<2x4000x80xi32, #tpu.memory_space<hbm>>, %arg3: memref<10000xf32, #tpu.memory_space<hbm>>, %arg4: memref<80xf32, #tpu.memory_space<hbm>>, %arg5: memref<2x10000xf32, #tpu.memory_space<hbm>>, %arg6: memref<125x80xi32, #tpu.memory_space<vmem>>, %arg7: memref<80xf32, #tpu.memory_space<vmem>>, %arg8: memref<10000xf32, #tpu.memory_space<vmem_shared>>, %arg9: memref<!tpu.dma_semaphore, #tpu.memory_space<semaphore_mem>>) attributes {dimension_semantics = [#tpu.dimension_semantics<core_parallel>, #tpu.dimension_semantics<subcore_parallel>], iteration_bounds = array<i64: 2, 16>, scalar_prefetch = 0 : i64, scratch_operands = 4 : i64, tpu.core_type = #tpu.core_type<sc_vector_subcore>, window_params = [{transform_indices = #map}, {transform_indices = #map1}, {transform_indices = #map1}, {transform_indices = #map2}]} {
    %mul3A = arith.constant 16 : i32
    %mul3A_0 = arith.muli %arg0, %mul3A : i32
    %add3A = arith.addi %mul3A_0, %arg1 : i32
    %eq3A = arith.constant 0 : i32
    %eq3A_1 = arith.cmpi eq, %arg1, %eq3A : i32
    %convert_element_type3A = arith.extui %eq3A_1 : i1 to i32
    %cond3A = arith.constant 0 : i32
    %cond3A_2 = arith.cmpi ne, %convert_element_type3A, %cond3A : i32
    scf.if %cond3A_2 {
      "tpu.region"() ({
        %run_scoped3A_63 = tpu.sem_alloc : memref<!tpu.dma_semaphore, #tpu.memory_space<semaphore_mem>>
        tpu.enqueue_dma source(%arg3 : memref<10000xf32, #tpu.memory_space<hbm>>) target(%arg8 : memref<10000xf32, #tpu.memory_space<vmem_shared>>) target_semaphore(%run_scoped3A_63 : memref<!tpu.dma_semaphore, #tpu.memory_space<semaphore_mem>>)
        tpu.wait_dma2 semaphore(%run_scoped3A_63 : memref<!tpu.dma_semaphore, #tpu.memory_space<semaphore_mem>>) src(%arg3 : memref<10000xf32, #tpu.memory_space<hbm>>) dst(%arg8 : memref<10000xf32, #tpu.memory_space<vmem_shared>>)
        tpu.yield
      }) : () -> ()
    } else {
    }
    %mul3A_3 = arith.constant 125 : i32
    %mul3A_4 = arith.muli %add3A, %mul3A_3 : i32
    %run_scoped3A = arith.constant 1 : i32
    "tpu.region"() ({
      %run_scoped3A_63 = tpu.sem_alloc : memref<!tpu.dma_semaphore, #tpu.memory_space<semaphore_mem>>
      %dma_start3A = arith.constant 0 : i32
      %dma_start3A_64 = tpu.memref_slice %arg2[%run_scoped3A, %mul3A_4, %dma_start3A] : memref<2x4000x80xi32, #tpu.memory_space<hbm>> -> memref<1x125x80xi32, #tpu.memory_space<hbm>>
      %dma_start3A_65 = tpu.memref_squeeze %dma_start3A_64 : memref<1x125x80xi32, #tpu.memory_space<hbm>> -> memref<125x80xi32, #tpu.memory_space<hbm>>
      %dma_start3A_66 = arith.constant 0 : i32
      %dma_start3A_67 = tpu.memref_slice %arg2[%run_scoped3A, %mul3A_4, %dma_start3A_66] : memref<2x4000x80xi32, #tpu.memory_space<hbm>> -> memref<1x125x80xi32, #tpu.memory_space<hbm>>
      %dma_start3A_68 = tpu.memref_squeeze %dma_start3A_67 : memref<1x125x80xi32, #tpu.memory_space<hbm>> -> memref<125x80xi32, #tpu.memory_space<hbm>>
      tpu.enqueue_dma source(%dma_start3A_68 : memref<125x80xi32, #tpu.memory_space<hbm>>) target(%arg6 : memref<125x80xi32, #tpu.memory_space<vmem>>) target_semaphore(%run_scoped3A_63 : memref<!tpu.dma_semaphore, #tpu.memory_space<semaphore_mem>>)
      %dma_wait3A_69 = arith.constant 0 : i32
      %dma_wait3A_70 = tpu.memref_slice %arg2[%run_scoped3A, %mul3A_4, %dma_wait3A_69] : memref<2x4000x80xi32, #tpu.memory_space<hbm>> -> memref<1x125x80xi32, #tpu.memory_space<hbm>>
      %dma_wait3A_71 = tpu.memref_squeeze %dma_wait3A_70 : memref<1x125x80xi32, #tpu.memory_space<hbm>> -> memref<125x80xi32, #tpu.memory_space<hbm>>
      %dma_wait3A_72 = arith.constant 0 : i32
      %dma_wait3A_73 = tpu.memref_slice %arg2[%run_scoped3A, %mul3A_4, %dma_wait3A_72] : memref<2x4000x80xi32, #tpu.memory_space<hbm>> -> memref<1x125x80xi32, #tpu.memory_space<hbm>>
      %dma_wait3A_74 = tpu.memref_squeeze %dma_wait3A_73 : memref<1x125x80xi32, #tpu.memory_space<hbm>> -> memref<125x80xi32, #tpu.memory_space<hbm>>
      tpu.wait_dma2 semaphore(%run_scoped3A_63 : memref<!tpu.dma_semaphore, #tpu.memory_space<semaphore_mem>>) src(%dma_wait3A_74 : memref<125x80xi32, #tpu.memory_space<hbm>>) dst(%arg6 : memref<125x80xi32, #tpu.memory_space<vmem>>)
      tpu.yield
    }) : () -> ()
    "tpu.region"() ({
      %run_scoped3A_63 = tpu.sem_alloc : memref<!tpu.dma_semaphore, #tpu.memory_space<semaphore_mem>>
      tpu.enqueue_dma source(%arg4 : memref<80xf32, #tpu.memory_space<hbm>>) target(%arg7 : memref<80xf32, #tpu.memory_space<vmem>>) target_semaphore(%run_scoped3A_63 : memref<!tpu.dma_semaphore, #tpu.memory_space<semaphore_mem>>)
      tpu.wait_dma2 semaphore(%run_scoped3A_63 : memref<!tpu.dma_semaphore, #tpu.memory_space<semaphore_mem>>) src(%arg4 : memref<80xf32, #tpu.memory_space<hbm>>) dst(%arg7 : memref<80xf32, #tpu.memory_space<vmem>>)
      tpu.yield
    }) : () -> ()
    %barrier3A = arith.constant 0 : index
    tpu.barrier barrier_id(%barrier3A)
    %scan3A = arith.constant 0 : i32
    %scan3A_5 = arith.constant 0 : i32
    %scan3A_6 = arith.constant 125 : i32
    %scan3A_7 = arith.addi %scan3A_5, %scan3A_6 : i32
    %scan3A_8 = arith.constant 1 : i32
    scf.for %scan3A_63 = %scan3A_5 to %scan3A_7 step %scan3A_8  : i32 {
      %dma_start3A = arith.constant 0 : i32
      %dma_start3A_64 = tpu.memref_slice %arg6[%scan3A_63, %dma_start3A] : memref<125x80xi32, #tpu.memory_space<vmem>> -> memref<1x80xi32, #tpu.memory_space<vmem>>
      %dma_start3A_65 = tpu.memref_squeeze %dma_start3A_64 : memref<1x80xi32, #tpu.memory_space<vmem>> -> memref<80xi32, #tpu.memory_space<vmem>>
      %dma_start3A_66 = arith.constant 0 : i32
      %dma_start3A_67 = tpu.memref_slice %arg8[%dma_start3A_66] : memref<10000xf32, #tpu.memory_space<vmem_shared>> -> memref<10000xf32, #tpu.memory_space<vmem_shared>>
      tpu.enqueue_indirect_dma source(%arg7 : memref<80xf32, #tpu.memory_space<vmem>>) target(%dma_start3A_67 : memref<10000xf32, #tpu.memory_space<vmem_shared>>) offsets(%dma_start3A_65 : memref<80xi32, #tpu.memory_space<vmem>>) semaphore(%arg9 : memref<!tpu.dma_semaphore, #tpu.memory_space<semaphore_mem>>) {add = true}
      %ge3A = arith.constant 8 : i32
      %ge3A_68 = arith.cmpi sge, %scan3A_63, %ge3A : i32
      %convert_element_type3A_69 = arith.extui %ge3A_68 : i1 to i32
      %cond3A_70 = arith.constant 0 : i32
      %cond3A_71 = arith.cmpi ne, %convert_element_type3A_69, %cond3A_70 : i32
      scf.if %cond3A_71 {
        %dma_wait3A_72 = arith.constant 0 : i32
        %dma_wait3A_73 = arith.constant 0 : i32
        %dma_wait3A_74 = tpu.memref_slice %arg6[%dma_wait3A_72, %dma_wait3A_73] : memref<125x80xi32, #tpu.memory_space<vmem>> -> memref<1x80xi32, #tpu.memory_space<vmem>>
        %dma_wait3A_75 = tpu.memref_squeeze %dma_wait3A_74 : memref<1x80xi32, #tpu.memory_space<vmem>> -> memref<80xi32, #tpu.memory_space<vmem>>
        %dma_wait3A_76 = arith.constant 0 : i32
        %dma_wait3A_77 = tpu.memref_slice %arg8[%dma_wait3A_76] : memref<10000xf32, #tpu.memory_space<vmem_shared>> -> memref<10000xf32, #tpu.memory_space<vmem_shared>>
        tpu.wait_indirect_dma semaphore(%arg9 : memref<!tpu.dma_semaphore, #tpu.memory_space<semaphore_mem>>) src(%arg7 : memref<80xf32, #tpu.memory_space<vmem>>) dst(%dma_wait3A_77 : memref<10000xf32, #tpu.memory_space<vmem_shared>>)
      } else {
      }
    }
    %scan3A_9 = arith.constant 125 : i32
    %dma_wait3A = arith.constant 0 : i32
    %dma_wait3A_10 = arith.constant 0 : i32
    %dma_wait3A_11 = tpu.memref_slice %arg6[%dma_wait3A, %dma_wait3A_10] : memref<125x80xi32, #tpu.memory_space<vmem>> -> memref<1x80xi32, #tpu.memory_space<vmem>>
    %dma_wait3A_12 = tpu.memref_squeeze %dma_wait3A_11 : memref<1x80xi32, #tpu.memory_space<vmem>> -> memref<80xi32, #tpu.memory_space<vmem>>
    %dma_wait3A_13 = arith.constant 0 : i32
    %dma_wait3A_14 = tpu.memref_slice %arg8[%dma_wait3A_13] : memref<10000xf32, #tpu.memory_space<vmem_shared>> -> memref<10000xf32, #tpu.memory_space<vmem_shared>>
    tpu.wait_indirect_dma semaphore(%arg9 : memref<!tpu.dma_semaphore, #tpu.memory_space<semaphore_mem>>) src(%arg7 : memref<80xf32, #tpu.memory_space<vmem>>) dst(%dma_wait3A_14 : memref<10000xf32, #tpu.memory_space<vmem_shared>>)
    %dma_wait3A_15 = arith.constant 0 : i32
    %dma_wait3A_16 = arith.constant 0 : i32
    %dma_wait3A_17 = tpu.memref_slice %arg6[%dma_wait3A_15, %dma_wait3A_16] : memref<125x80xi32, #tpu.memory_space<vmem>> -> memref<1x80xi32, #tpu.memory_space<vmem>>
    %dma_wait3A_18 = tpu.memref_squeeze %dma_wait3A_17 : memref<1x80xi32, #tpu.memory_space<vmem>> -> memref<80xi32, #tpu.memory_space<vmem>>
    %dma_wait3A_19 = arith.constant 0 : i32
    %dma_wait3A_20 = tpu.memref_slice %arg8[%dma_wait3A_19] : memref<10000xf32, #tpu.memory_space<vmem_shared>> -> memref<10000xf32, #tpu.memory_space<vmem_shared>>
    tpu.wait_indirect_dma semaphore(%arg9 : memref<!tpu.dma_semaphore, #tpu.memory_space<semaphore_mem>>) src(%arg7 : memref<80xf32, #tpu.memory_space<vmem>>) dst(%dma_wait3A_20 : memref<10000xf32, #tpu.memory_space<vmem_shared>>)
    %dma_wait3A_21 = arith.constant 0 : i32
    %dma_wait3A_22 = arith.constant 0 : i32
    %dma_wait3A_23 = tpu.memref_slice %arg6[%dma_wait3A_21, %dma_wait3A_22] : memref<125x80xi32, #tpu.memory_space<vmem>> -> memref<1x80xi32, #tpu.memory_space<vmem>>
    %dma_wait3A_24 = tpu.memref_squeeze %dma_wait3A_23 : memref<1x80xi32, #tpu.memory_space<vmem>> -> memref<80xi32, #tpu.memory_space<vmem>>
    %dma_wait3A_25 = arith.constant 0 : i32
    %dma_wait3A_26 = tpu.memref_slice %arg8[%dma_wait3A_25] : memref<10000xf32, #tpu.memory_space<vmem_shared>> -> memref<10000xf32, #tpu.memory_space<vmem_shared>>
    tpu.wait_indirect_dma semaphore(%arg9 : memref<!tpu.dma_semaphore, #tpu.memory_space<semaphore_mem>>) src(%arg7 : memref<80xf32, #tpu.memory_space<vmem>>) dst(%dma_wait3A_26 : memref<10000xf32, #tpu.memory_space<vmem_shared>>)
    %dma_wait3A_27 = arith.constant 0 : i32
    %dma_wait3A_28 = arith.constant 0 : i32
    %dma_wait3A_29 = tpu.memref_slice %arg6[%dma_wait3A_27, %dma_wait3A_28] : memref<125x80xi32, #tpu.memory_space<vmem>> -> memref<1x80xi32, #tpu.memory_space<vmem>>
    %dma_wait3A_30 = tpu.memref_squeeze %dma_wait3A_29 : memref<1x80xi32, #tpu.memory_space<vmem>> -> memref<80xi32, #tpu.memory_space<vmem>>
    %dma_wait3A_31 = arith.constant 0 : i32
    %dma_wait3A_32 = tpu.memref_slice %arg8[%dma_wait3A_31] : memref<10000xf32, #tpu.memory_space<vmem_shared>> -> memref<10000xf32, #tpu.memory_space<vmem_shared>>
    tpu.wait_indirect_dma semaphore(%arg9 : memref<!tpu.dma_semaphore, #tpu.memory_space<semaphore_mem>>) src(%arg7 : memref<80xf32, #tpu.memory_space<vmem>>) dst(%dma_wait3A_32 : memref<10000xf32, #tpu.memory_space<vmem_shared>>)
    %dma_wait3A_33 = arith.constant 0 : i32
    %dma_wait3A_34 = arith.constant 0 : i32
    %dma_wait3A_35 = tpu.memref_slice %arg6[%dma_wait3A_33, %dma_wait3A_34] : memref<125x80xi32, #tpu.memory_space<vmem>> -> memref<1x80xi32, #tpu.memory_space<vmem>>
    %dma_wait3A_36 = tpu.memref_squeeze %dma_wait3A_35 : memref<1x80xi32, #tpu.memory_space<vmem>> -> memref<80xi32, #tpu.memory_space<vmem>>
    %dma_wait3A_37 = arith.constant 0 : i32
    %dma_wait3A_38 = tpu.memref_slice %arg8[%dma_wait3A_37] : memref<10000xf32, #tpu.memory_space<vmem_shared>> -> memref<10000xf32, #tpu.memory_space<vmem_shared>>
    tpu.wait_indirect_dma semaphore(%arg9 : memref<!tpu.dma_semaphore, #tpu.memory_space<semaphore_mem>>) src(%arg7 : memref<80xf32, #tpu.memory_space<vmem>>) dst(%dma_wait3A_38 : memref<10000xf32, #tpu.memory_space<vmem_shared>>)
    %dma_wait3A_39 = arith.constant 0 : i32
    %dma_wait3A_40 = arith.constant 0 : i32
    %dma_wait3A_41 = tpu.memref_slice %arg6[%dma_wait3A_39, %dma_wait3A_40] : memref<125x80xi32, #tpu.memory_space<vmem>> -> memref<1x80xi32, #tpu.memory_space<vmem>>
    %dma_wait3A_42 = tpu.memref_squeeze %dma_wait3A_41 : memref<1x80xi32, #tpu.memory_space<vmem>> -> memref<80xi32, #tpu.memory_space<vmem>>
    %dma_wait3A_43 = arith.constant 0 : i32
    %dma_wait3A_44 = tpu.memref_slice %arg8[%dma_wait3A_43] : memref<10000xf32, #tpu.memory_space<vmem_shared>> -> memref<10000xf32, #tpu.memory_space<vmem_shared>>
    tpu.wait_indirect_dma semaphore(%arg9 : memref<!tpu.dma_semaphore, #tpu.memory_space<semaphore_mem>>) src(%arg7 : memref<80xf32, #tpu.memory_space<vmem>>) dst(%dma_wait3A_44 : memref<10000xf32, #tpu.memory_space<vmem_shared>>)
    %dma_wait3A_45 = arith.constant 0 : i32
    %dma_wait3A_46 = arith.constant 0 : i32
    %dma_wait3A_47 = tpu.memref_slice %arg6[%dma_wait3A_45, %dma_wait3A_46] : memref<125x80xi32, #tpu.memory_space<vmem>> -> memref<1x80xi32, #tpu.memory_space<vmem>>
    %dma_wait3A_48 = tpu.memref_squeeze %dma_wait3A_47 : memref<1x80xi32, #tpu.memory_space<vmem>> -> memref<80xi32, #tpu.memory_space<vmem>>
    %dma_wait3A_49 = arith.constant 0 : i32
    %dma_wait3A_50 = tpu.memref_slice %arg8[%dma_wait3A_49] : memref<10000xf32, #tpu.memory_space<vmem_shared>> -> memref<10000xf32, #tpu.memory_space<vmem_shared>>
    tpu.wait_indirect_dma semaphore(%arg9 : memref<!tpu.dma_semaphore, #tpu.memory_space<semaphore_mem>>) src(%arg7 : memref<80xf32, #tpu.memory_space<vmem>>) dst(%dma_wait3A_50 : memref<10000xf32, #tpu.memory_space<vmem_shared>>)
    %dma_wait3A_51 = arith.constant 0 : i32
    %dma_wait3A_52 = arith.constant 0 : i32
    %dma_wait3A_53 = tpu.memref_slice %arg6[%dma_wait3A_51, %dma_wait3A_52] : memref<125x80xi32, #tpu.memory_space<vmem>> -> memref<1x80xi32, #tpu.memory_space<vmem>>
    %dma_wait3A_54 = tpu.memref_squeeze %dma_wait3A_53 : memref<1x80xi32, #tpu.memory_space<vmem>> -> memref<80xi32, #tpu.memory_space<vmem>>
    %dma_wait3A_55 = arith.constant 0 : i32
    %dma_wait3A_56 = tpu.memref_slice %arg8[%dma_wait3A_55] : memref<10000xf32, #tpu.memory_space<vmem_shared>> -> memref<10000xf32, #tpu.memory_space<vmem_shared>>
    tpu.wait_indirect_dma semaphore(%arg9 : memref<!tpu.dma_semaphore, #tpu.memory_space<semaphore_mem>>) src(%arg7 : memref<80xf32, #tpu.memory_space<vmem>>) dst(%dma_wait3A_56 : memref<10000xf32, #tpu.memory_space<vmem_shared>>)
    %barrier3A_57 = arith.constant 0 : index
    tpu.barrier barrier_id(%barrier3A_57)
    %eq3A_58 = arith.constant 0 : i32
    %eq3A_59 = arith.cmpi eq, %arg1, %eq3A_58 : i32
    %convert_element_type3A_60 = arith.extui %eq3A_59 : i1 to i32
    %cond3A_61 = arith.constant 0 : i32
    %cond3A_62 = arith.cmpi ne, %convert_element_type3A_60, %cond3A_61 : i32
    scf.if %cond3A_62 {
      "tpu.region"() ({
        %run_scoped3A_63 = tpu.sem_alloc : memref<!tpu.dma_semaphore, #tpu.memory_space<semaphore_mem>>
        %dma_start3A = arith.constant 0 : i32
        %dma_start3A_64 = tpu.memref_slice %arg5[%arg0, %dma_start3A] : memref<2x10000xf32, #tpu.memory_space<hbm>> -> memref<1x10000xf32, #tpu.memory_space<hbm>>
        %dma_start3A_65 = tpu.memref_squeeze %dma_start3A_64 : memref<1x10000xf32, #tpu.memory_space<hbm>> -> memref<10000xf32, #tpu.memory_space<hbm>>
        tpu.enqueue_dma source(%arg8 : memref<10000xf32, #tpu.memory_space<vmem_shared>>) target(%dma_start3A_65 : memref<10000xf32, #tpu.memory_space<hbm>>) target_semaphore(%run_scoped3A_63 : memref<!tpu.dma_semaphore, #tpu.memory_space<semaphore_mem>>)
        %dma_wait3A_66 = arith.constant 0 : i32
        %dma_wait3A_67 = tpu.memref_slice %arg5[%arg0, %dma_wait3A_66] : memref<2x10000xf32, #tpu.memory_space<hbm>> -> memref<1x10000xf32, #tpu.memory_space<hbm>>
        %dma_wait3A_68 = tpu.memref_squeeze %dma_wait3A_67 : memref<1x10000xf32, #tpu.memory_space<hbm>> -> memref<10000xf32, #tpu.memory_space<hbm>>
        tpu.wait_dma2 semaphore(%run_scoped3A_63 : memref<!tpu.dma_semaphore, #tpu.memory_space<semaphore_mem>>) src(%arg8 : memref<10000xf32, #tpu.memory_space<vmem_shared>>) dst(%dma_wait3A_68 : memref<10000xf32, #tpu.memory_space<hbm>>)
        tpu.yield
      }) : () -> ()
    } else {
    }
    return
  }
}

#map = affine_map<(d0, d1) -> (0, 0)>
#map1 = affine_map<(d0, d1) -> (0, 0, 0)>
module attributes {stable_mosaic.version = 14 : i64} {
  func.func @k(%arg0: i32, %arg1: i32, %arg2: memref<10000x128xf32, #tpu.memory_space<hbm>>, %arg3: memref<2x4000x80xi32, #tpu.memory_space<hbm>>, %arg4: memref<632x128xf32, #tpu.memory_space<hbm>>, %arg5: memref<2x10000x128xf32, #tpu.memory_space<hbm>>, %arg6: memref<125x80xi32, #tpu.memory_space<vmem>>, %arg7: memref<125x80xi32, #tpu.memory_space<vmem>>, %arg8: memref<80x128xf32, #tpu.memory_space<vmem>>, %arg9: memref<80x128xf32, #tpu.memory_space<vmem>>, %arg10: memref<80x128xf32, #tpu.memory_space<vmem>>, %arg11: memref<10000x128xf32, #tpu.memory_space<vmem_shared>>, %arg12: memref<!tpu.dma_semaphore, #tpu.memory_space<semaphore_mem>>, %arg13: memref<!tpu.dma_semaphore, #tpu.memory_space<semaphore_mem>>, %arg14: memref<!tpu.dma_semaphore, #tpu.memory_space<semaphore_mem>>, %arg15: memref<!tpu.dma_semaphore, #tpu.memory_space<semaphore_mem>>, %arg16: memref<!tpu.dma_semaphore, #tpu.memory_space<semaphore_mem>>, %arg17: memref<!tpu.dma_semaphore, #tpu.memory_space<semaphore_mem>>) attributes {dimension_semantics = [#tpu.dimension_semantics<core_parallel>, #tpu.dimension_semantics<subcore_parallel>], iteration_bounds = array<i64: 2, 16>, scalar_prefetch = 0 : i64, scratch_operands = 12 : i64, tpu.core_type = #tpu.core_type<sc_vector_subcore>, window_params = [{transform_indices = #map}, {transform_indices = #map1}, {transform_indices = #map}, {transform_indices = #map1}]} {
    %mul3A = arith.constant 16 : i32
    %mul3A_0 = arith.muli %arg0, %mul3A : i32
    %add3A = arith.addi %mul3A_0, %arg1 : i32
    %mul3A_1 = arith.constant 125 : i32
    %mul3A_2 = arith.muli %add3A, %mul3A_1 : i32
    %run_scoped3A = arith.constant 0 : i32
    "tpu.region"() ({
      %run_scoped3A_48 = tpu.sem_alloc : memref<!tpu.dma_semaphore, #tpu.memory_space<semaphore_mem>>
      %dma_start3A_49 = arith.constant 0 : i32
      %dma_start3A_50 = tpu.memref_slice %arg3[%run_scoped3A, %mul3A_2, %dma_start3A_49] : memref<2x4000x80xi32, #tpu.memory_space<hbm>> -> memref<1x125x80xi32, #tpu.memory_space<hbm>>
      %dma_start3A_51 = tpu.memref_squeeze %dma_start3A_50 : memref<1x125x80xi32, #tpu.memory_space<hbm>> -> memref<125x80xi32, #tpu.memory_space<hbm>>
      %dma_start3A_52 = arith.constant 0 : i32
      %dma_start3A_53 = tpu.memref_slice %arg3[%run_scoped3A, %mul3A_2, %dma_start3A_52] : memref<2x4000x80xi32, #tpu.memory_space<hbm>> -> memref<1x125x80xi32, #tpu.memory_space<hbm>>
      %dma_start3A_54 = tpu.memref_squeeze %dma_start3A_53 : memref<1x125x80xi32, #tpu.memory_space<hbm>> -> memref<125x80xi32, #tpu.memory_space<hbm>>
      tpu.enqueue_dma source(%dma_start3A_54 : memref<125x80xi32, #tpu.memory_space<hbm>>) target(%arg6 : memref<125x80xi32, #tpu.memory_space<vmem>>) target_semaphore(%run_scoped3A_48 : memref<!tpu.dma_semaphore, #tpu.memory_space<semaphore_mem>>)
      %dma_wait3A_55 = arith.constant 0 : i32
      %dma_wait3A_56 = tpu.memref_slice %arg3[%run_scoped3A, %mul3A_2, %dma_wait3A_55] : memref<2x4000x80xi32, #tpu.memory_space<hbm>> -> memref<1x125x80xi32, #tpu.memory_space<hbm>>
      %dma_wait3A_57 = tpu.memref_squeeze %dma_wait3A_56 : memref<1x125x80xi32, #tpu.memory_space<hbm>> -> memref<125x80xi32, #tpu.memory_space<hbm>>
      %dma_wait3A_58 = arith.constant 0 : i32
      %dma_wait3A_59 = tpu.memref_slice %arg3[%run_scoped3A, %mul3A_2, %dma_wait3A_58] : memref<2x4000x80xi32, #tpu.memory_space<hbm>> -> memref<1x125x80xi32, #tpu.memory_space<hbm>>
      %dma_wait3A_60 = tpu.memref_squeeze %dma_wait3A_59 : memref<1x125x80xi32, #tpu.memory_space<hbm>> -> memref<125x80xi32, #tpu.memory_space<hbm>>
      tpu.wait_dma2 semaphore(%run_scoped3A_48 : memref<!tpu.dma_semaphore, #tpu.memory_space<semaphore_mem>>) src(%dma_wait3A_60 : memref<125x80xi32, #tpu.memory_space<hbm>>) dst(%arg6 : memref<125x80xi32, #tpu.memory_space<vmem>>)
      tpu.yield
    }) : () -> ()
    %mul3A_3 = arith.constant 125 : i32
    %mul3A_4 = arith.muli %add3A, %mul3A_3 : i32
    %run_scoped3A_5 = arith.constant 1 : i32
    "tpu.region"() ({
      %run_scoped3A_48 = tpu.sem_alloc : memref<!tpu.dma_semaphore, #tpu.memory_space<semaphore_mem>>
      %dma_start3A_49 = arith.constant 0 : i32
      %dma_start3A_50 = tpu.memref_slice %arg3[%run_scoped3A_5, %mul3A_4, %dma_start3A_49] : memref<2x4000x80xi32, #tpu.memory_space<hbm>> -> memref<1x125x80xi32, #tpu.memory_space<hbm>>
      %dma_start3A_51 = tpu.memref_squeeze %dma_start3A_50 : memref<1x125x80xi32, #tpu.memory_space<hbm>> -> memref<125x80xi32, #tpu.memory_space<hbm>>
      %dma_start3A_52 = arith.constant 0 : i32
      %dma_start3A_53 = tpu.memref_slice %arg3[%run_scoped3A_5, %mul3A_4, %dma_start3A_52] : memref<2x4000x80xi32, #tpu.memory_space<hbm>> -> memref<1x125x80xi32, #tpu.memory_space<hbm>>
      %dma_start3A_54 = tpu.memref_squeeze %dma_start3A_53 : memref<1x125x80xi32, #tpu.memory_space<hbm>> -> memref<125x80xi32, #tpu.memory_space<hbm>>
      tpu.enqueue_dma source(%dma_start3A_54 : memref<125x80xi32, #tpu.memory_space<hbm>>) target(%arg7 : memref<125x80xi32, #tpu.memory_space<vmem>>) target_semaphore(%run_scoped3A_48 : memref<!tpu.dma_semaphore, #tpu.memory_space<semaphore_mem>>)
      %dma_wait3A_55 = arith.constant 0 : i32
      %dma_wait3A_56 = tpu.memref_slice %arg3[%run_scoped3A_5, %mul3A_4, %dma_wait3A_55] : memref<2x4000x80xi32, #tpu.memory_space<hbm>> -> memref<1x125x80xi32, #tpu.memory_space<hbm>>
      %dma_wait3A_57 = tpu.memref_squeeze %dma_wait3A_56 : memref<1x125x80xi32, #tpu.memory_space<hbm>> -> memref<125x80xi32, #tpu.memory_space<hbm>>
      %dma_wait3A_58 = arith.constant 0 : i32
      %dma_wait3A_59 = tpu.memref_slice %arg3[%run_scoped3A_5, %mul3A_4, %dma_wait3A_58] : memref<2x4000x80xi32, #tpu.memory_space<hbm>> -> memref<1x125x80xi32, #tpu.memory_space<hbm>>
      %dma_wait3A_60 = tpu.memref_squeeze %dma_wait3A_59 : memref<1x125x80xi32, #tpu.memory_space<hbm>> -> memref<125x80xi32, #tpu.memory_space<hbm>>
      tpu.wait_dma2 semaphore(%run_scoped3A_48 : memref<!tpu.dma_semaphore, #tpu.memory_space<semaphore_mem>>) src(%dma_wait3A_60 : memref<125x80xi32, #tpu.memory_space<hbm>>) dst(%arg7 : memref<125x80xi32, #tpu.memory_space<vmem>>)
      tpu.yield
    }) : () -> ()
    %mul3A_6 = arith.constant 632 : i32
    %mul3A_7 = arith.muli %arg1, %mul3A_6 : i32
    %min3A = arith.constant 9368 : i32
    %min3A_8 = arith.minsi %mul3A_7, %min3A : i32
    "tpu.region"() ({
      %run_scoped3A_48 = tpu.sem_alloc : memref<!tpu.dma_semaphore, #tpu.memory_space<semaphore_mem>>
      %dma_start3A_49 = arith.constant 0 : i32
      %dma_start3A_50 = tpu.memref_slice %arg11[%min3A_8, %dma_start3A_49] : memref<10000x128xf32, #tpu.memory_space<vmem_shared>> -> memref<632x128xf32, #tpu.memory_space<vmem_shared>>
      tpu.enqueue_dma source(%arg4 : memref<632x128xf32, #tpu.memory_space<hbm>>) target(%dma_start3A_50 : memref<632x128xf32, #tpu.memory_space<vmem_shared>>) target_semaphore(%run_scoped3A_48 : memref<!tpu.dma_semaphore, #tpu.memory_space<semaphore_mem>>)
      %dma_wait3A_51 = arith.constant 0 : i32
      %dma_wait3A_52 = tpu.memref_slice %arg11[%min3A_8, %dma_wait3A_51] : memref<10000x128xf32, #tpu.memory_space<vmem_shared>> -> memref<632x128xf32, #tpu.memory_space<vmem_shared>>
      tpu.wait_dma2 semaphore(%run_scoped3A_48 : memref<!tpu.dma_semaphore, #tpu.memory_space<semaphore_mem>>) src(%arg4 : memref<632x128xf32, #tpu.memory_space<hbm>>) dst(%dma_wait3A_52 : memref<632x128xf32, #tpu.memory_space<vmem_shared>>)
      tpu.yield
    }) : () -> ()
    %barrier3A = arith.constant 0 : index
    tpu.barrier barrier_id(%barrier3A)
    %dma_start3A = arith.constant 0 : i32
    %dma_start3A_9 = arith.constant 0 : i32
    %dma_start3A_10 = tpu.memref_slice %arg6[%dma_start3A, %dma_start3A_9] : memref<125x80xi32, #tpu.memory_space<vmem>> -> memref<1x80xi32, #tpu.memory_space<vmem>>
    %dma_start3A_11 = tpu.memref_squeeze %dma_start3A_10 : memref<1x80xi32, #tpu.memory_space<vmem>> -> memref<80xi32, #tpu.memory_space<vmem>>
    %dma_start3A_12 = arith.constant 0 : i32
    %dma_start3A_13 = arith.constant 0 : i32
    %dma_start3A_14 = tpu.memref_slice %arg2[%dma_start3A_12, %dma_start3A_13] : memref<10000x128xf32, #tpu.memory_space<hbm>> -> memref<10000x128xf32, #tpu.memory_space<hbm>>
    tpu.enqueue_indirect_dma source(%dma_start3A_14 : memref<10000x128xf32, #tpu.memory_space<hbm>>) target(%arg8 : memref<80x128xf32, #tpu.memory_space<vmem>>) offsets(%dma_start3A_11 : memref<80xi32, #tpu.memory_space<vmem>>) semaphore(%arg12 : memref<!tpu.dma_semaphore, #tpu.memory_space<semaphore_mem>>)
    %dma_start3A_15 = arith.constant 1 : i32
    %dma_start3A_16 = arith.constant 0 : i32
    %dma_start3A_17 = tpu.memref_slice %arg6[%dma_start3A_15, %dma_start3A_16] : memref<125x80xi32, #tpu.memory_space<vmem>> -> memref<1x80xi32, #tpu.memory_space<vmem>>
    %dma_start3A_18 = tpu.memref_squeeze %dma_start3A_17 : memref<1x80xi32, #tpu.memory_space<vmem>> -> memref<80xi32, #tpu.memory_space<vmem>>
    %dma_start3A_19 = arith.constant 0 : i32
    %dma_start3A_20 = arith.constant 0 : i32
    %dma_start3A_21 = tpu.memref_slice %arg2[%dma_start3A_19, %dma_start3A_20] : memref<10000x128xf32, #tpu.memory_space<hbm>> -> memref<10000x128xf32, #tpu.memory_space<hbm>>
    tpu.enqueue_indirect_dma source(%dma_start3A_21 : memref<10000x128xf32, #tpu.memory_space<hbm>>) target(%arg9 : memref<80x128xf32, #tpu.memory_space<vmem>>) offsets(%dma_start3A_18 : memref<80xi32, #tpu.memory_space<vmem>>) semaphore(%arg13 : memref<!tpu.dma_semaphore, #tpu.memory_space<semaphore_mem>>)
    %scan3A = arith.constant 0 : i32
    %scan3A_22 = arith.constant 0 : i32
    %scan3A_23 = arith.constant 125 : i32
    %scan3A_24 = arith.addi %scan3A_22, %scan3A_23 : i32
    %scan3A_25 = arith.constant 1 : i32
    scf.for %scan3A_48 = %scan3A_22 to %scan3A_24 step %scan3A_25  : i32 {
      %jit3A = arith.constant 3 : i32
      %eq3A = arith.constant 0 : i32
      %eq3A_49 = arith.cmpi eq, %jit3A, %eq3A : i32
      %jit3A_50 = arith.constant 1 : i32
      %select_n3A = arith.select %eq3A_49, %jit3A_50, %jit3A : i32
      %rem3A = arith.remsi %scan3A_48, %select_n3A : i32
      %ne3A = arith.constant 0 : i32
      %ne3A_51 = arith.cmpi ne, %rem3A, %ne3A : i32
      %lt3A = arith.constant 0 : i32
      %lt3A_52 = arith.cmpi slt, %rem3A, %lt3A : i32
      %lt3A_53 = arith.constant 0 : i32
      %lt3A_54 = arith.cmpi slt, %select_n3A, %lt3A_53 : i32
      %ne3A_55 = arith.xori %lt3A_52, %lt3A_54 : i1
      %and3A = arith.andi %ne3A_55, %ne3A_51 : i1
      %add3A_56 = arith.addi %rem3A, %select_n3A : i32
      %select_n3A_57 = arith.select %and3A, %add3A_56, %rem3A : i32
      %eq3A_58 = arith.constant 0 : i32
      %eq3A_59 = arith.cmpi eq, %select_n3A_57, %eq3A_58 : i32
      %convert_element_type3A = arith.extui %eq3A_59 : i1 to i32
      %cond3A = arith.constant 0 : i32
      %cond3A_60 = arith.cmpi ne, %convert_element_type3A, %cond3A : i32
      scf.if %cond3A_60 {
        %dma_wait3A_103 = arith.constant 0 : i32
        %dma_wait3A_104 = tpu.memref_slice %arg6[%scan3A_48, %dma_wait3A_103] : memref<125x80xi32, #tpu.memory_space<vmem>> -> memref<1x80xi32, #tpu.memory_space<vmem>>
        %dma_wait3A_105 = tpu.memref_squeeze %dma_wait3A_104 : memref<1x80xi32, #tpu.memory_space<vmem>> -> memref<80xi32, #tpu.memory_space<vmem>>
        %dma_wait3A_106 = arith.constant 0 : i32
        %dma_wait3A_107 = arith.constant 0 : i32
        %dma_wait3A_108 = tpu.memref_slice %arg2[%dma_wait3A_106, %dma_wait3A_107] : memref<10000x128xf32, #tpu.memory_space<hbm>> -> memref<10000x128xf32, #tpu.memory_space<hbm>>
        tpu.wait_indirect_dma semaphore(%arg12 : memref<!tpu.dma_semaphore, #tpu.memory_space<semaphore_mem>>) src(%dma_wait3A_108 : memref<10000x128xf32, #tpu.memory_space<hbm>>) dst(%arg8 : memref<80x128xf32, #tpu.memory_space<vmem>>)
        %add3A_109 = arith.constant 3 : i32
        %add3A_110 = arith.addi %scan3A_48, %add3A_109 : i32
        %sub3A = arith.constant 1 : i32
        %sub3A_111 = arith.subi %add3A_110, %sub3A : i32
        %lt3A_112 = arith.constant 125 : i32
        %lt3A_113 = arith.cmpi slt, %sub3A_111, %lt3A_112 : i32
        %convert_element_type3A_114 = arith.extui %lt3A_113 : i1 to i32
        %cond3A_115 = arith.constant 0 : i32
        %cond3A_116 = arith.cmpi ne, %convert_element_type3A_114, %cond3A_115 : i32
        scf.if %cond3A_116 {
          %ge3A = arith.constant 1 : i32
          %ge3A_123 = arith.cmpi sge, %scan3A_48, %ge3A : i32
          %convert_element_type3A_124 = arith.extui %ge3A_123 : i1 to i32
          %cond3A_125 = arith.constant 0 : i32
          %cond3A_126 = arith.cmpi ne, %convert_element_type3A_124, %cond3A_125 : i32
          scf.if %cond3A_126 {
            %dma_wait3A_137 = arith.constant 0 : i32
            %dma_wait3A_138 = arith.constant 0 : i32
            %dma_wait3A_139 = tpu.memref_slice %arg7[%dma_wait3A_137, %dma_wait3A_138] : memref<125x80xi32, #tpu.memory_space<vmem>> -> memref<1x80xi32, #tpu.memory_space<vmem>>
            %dma_wait3A_140 = tpu.memref_squeeze %dma_wait3A_139 : memref<1x80xi32, #tpu.memory_space<vmem>> -> memref<80xi32, #tpu.memory_space<vmem>>
            %dma_wait3A_141 = arith.constant 0 : i32
            %dma_wait3A_142 = arith.constant 0 : i32
            %dma_wait3A_143 = tpu.memref_slice %arg11[%dma_wait3A_141, %dma_wait3A_142] : memref<10000x128xf32, #tpu.memory_space<vmem_shared>> -> memref<10000x128xf32, #tpu.memory_space<vmem_shared>>
            tpu.wait_indirect_dma semaphore(%arg17 : memref<!tpu.dma_semaphore, #tpu.memory_space<semaphore_mem>>) src(%arg10 : memref<80x128xf32, #tpu.memory_space<vmem>>) dst(%dma_wait3A_143 : memref<10000x128xf32, #tpu.memory_space<vmem_shared>>)
          } else {
          }
          %add3A_127 = arith.constant 3 : i32
          %add3A_128 = arith.addi %scan3A_48, %add3A_127 : i32
          %sub3A_129 = arith.constant 1 : i32
          %sub3A_130 = arith.subi %add3A_128, %sub3A_129 : i32
          %dma_start3A_131 = arith.constant 0 : i32
          %dma_start3A_132 = tpu.memref_slice %arg6[%sub3A_130, %dma_start3A_131] : memref<125x80xi32, #tpu.memory_space<vmem>> -> memref<1x80xi32, #tpu.memory_space<vmem>>
          %dma_start3A_133 = tpu.memref_squeeze %dma_start3A_132 : memref<1x80xi32, #tpu.memory_space<vmem>> -> memref<80xi32, #tpu.memory_space<vmem>>
          %dma_start3A_134 = arith.constant 0 : i32
          %dma_start3A_135 = arith.constant 0 : i32
          %dma_start3A_136 = tpu.memref_slice %arg2[%dma_start3A_134, %dma_start3A_135] : memref<10000x128xf32, #tpu.memory_space<hbm>> -> memref<10000x128xf32, #tpu.memory_space<hbm>>
          tpu.enqueue_indirect_dma source(%dma_start3A_136 : memref<10000x128xf32, #tpu.memory_space<hbm>>) target(%arg10 : memref<80x128xf32, #tpu.memory_space<vmem>>) offsets(%dma_start3A_133 : memref<80xi32, #tpu.memory_space<vmem>>) semaphore(%arg14 : memref<!tpu.dma_semaphore, #tpu.memory_space<semaphore_mem>>)
        } else {
        }
        %dma_start3A_117 = arith.constant 0 : i32
        %dma_start3A_118 = tpu.memref_slice %arg7[%scan3A_48, %dma_start3A_117] : memref<125x80xi32, #tpu.memory_space<vmem>> -> memref<1x80xi32, #tpu.memory_space<vmem>>
        %dma_start3A_119 = tpu.memref_squeeze %dma_start3A_118 : memref<1x80xi32, #tpu.memory_space<vmem>> -> memref<80xi32, #tpu.memory_space<vmem>>
        %dma_start3A_120 = arith.constant 0 : i32
        %dma_start3A_121 = arith.constant 0 : i32
        %dma_start3A_122 = tpu.memref_slice %arg11[%dma_start3A_120, %dma_start3A_121] : memref<10000x128xf32, #tpu.memory_space<vmem_shared>> -> memref<10000x128xf32, #tpu.memory_space<vmem_shared>>
        tpu.enqueue_indirect_dma source(%arg8 : memref<80x128xf32, #tpu.memory_space<vmem>>) target(%dma_start3A_122 : memref<10000x128xf32, #tpu.memory_space<vmem_shared>>) offsets(%dma_start3A_119 : memref<80xi32, #tpu.memory_space<vmem>>) semaphore(%arg15 : memref<!tpu.dma_semaphore, #tpu.memory_space<semaphore_mem>>) {add = true}
      } else {
      }
      %jit3A_61 = arith.constant 3 : i32
      %eq3A_62 = arith.constant 0 : i32
      %eq3A_63 = arith.cmpi eq, %jit3A_61, %eq3A_62 : i32
      %jit3A_64 = arith.constant 1 : i32
      %select_n3A_65 = arith.select %eq3A_63, %jit3A_64, %jit3A_61 : i32
      %rem3A_66 = arith.remsi %scan3A_48, %select_n3A_65 : i32
      %ne3A_67 = arith.constant 0 : i32
      %ne3A_68 = arith.cmpi ne, %rem3A_66, %ne3A_67 : i32
      %lt3A_69 = arith.constant 0 : i32
      %lt3A_70 = arith.cmpi slt, %rem3A_66, %lt3A_69 : i32
      %lt3A_71 = arith.constant 0 : i32
      %lt3A_72 = arith.cmpi slt, %select_n3A_65, %lt3A_71 : i32
      %ne3A_73 = arith.xori %lt3A_70, %lt3A_72 : i1
      %and3A_74 = arith.andi %ne3A_73, %ne3A_68 : i1
      %add3A_75 = arith.addi %rem3A_66, %select_n3A_65 : i32
      %select_n3A_76 = arith.select %and3A_74, %add3A_75, %rem3A_66 : i32
      %eq3A_77 = arith.constant 1 : i32
      %eq3A_78 = arith.cmpi eq, %select_n3A_76, %eq3A_77 : i32
      %convert_element_type3A_79 = arith.extui %eq3A_78 : i1 to i32
      %cond3A_80 = arith.constant 0 : i32
      %cond3A_81 = arith.cmpi ne, %convert_element_type3A_79, %cond3A_80 : i32
      scf.if %cond3A_81 {
        %dma_wait3A_103 = arith.constant 0 : i32
        %dma_wait3A_104 = tpu.memref_slice %arg6[%scan3A_48, %dma_wait3A_103] : memref<125x80xi32, #tpu.memory_space<vmem>> -> memref<1x80xi32, #tpu.memory_space<vmem>>
        %dma_wait3A_105 = tpu.memref_squeeze %dma_wait3A_104 : memref<1x80xi32, #tpu.memory_space<vmem>> -> memref<80xi32, #tpu.memory_space<vmem>>
        %dma_wait3A_106 = arith.constant 0 : i32
        %dma_wait3A_107 = arith.constant 0 : i32
        %dma_wait3A_108 = tpu.memref_slice %arg2[%dma_wait3A_106, %dma_wait3A_107] : memref<10000x128xf32, #tpu.memory_space<hbm>> -> memref<10000x128xf32, #tpu.memory_space<hbm>>
        tpu.wait_indirect_dma semaphore(%arg13 : memref<!tpu.dma_semaphore, #tpu.memory_space<semaphore_mem>>) src(%dma_wait3A_108 : memref<10000x128xf32, #tpu.memory_space<hbm>>) dst(%arg9 : memref<80x128xf32, #tpu.memory_space<vmem>>)
        %add3A_109 = arith.constant 3 : i32
        %add3A_110 = arith.addi %scan3A_48, %add3A_109 : i32
        %sub3A = arith.constant 1 : i32
        %sub3A_111 = arith.subi %add3A_110, %sub3A : i32
        %lt3A_112 = arith.constant 125 : i32
        %lt3A_113 = arith.cmpi slt, %sub3A_111, %lt3A_112 : i32
        %convert_element_type3A_114 = arith.extui %lt3A_113 : i1 to i32
        %cond3A_115 = arith.constant 0 : i32
        %cond3A_116 = arith.cmpi ne, %convert_element_type3A_114, %cond3A_115 : i32
        scf.if %cond3A_116 {
          %ge3A = arith.constant 1 : i32
          %ge3A_123 = arith.cmpi sge, %scan3A_48, %ge3A : i32
          %convert_element_type3A_124 = arith.extui %ge3A_123 : i1 to i32
          %cond3A_125 = arith.constant 0 : i32
          %cond3A_126 = arith.cmpi ne, %convert_element_type3A_124, %cond3A_125 : i32
          scf.if %cond3A_126 {
            %dma_wait3A_137 = arith.constant 0 : i32
            %dma_wait3A_138 = arith.constant 0 : i32
            %dma_wait3A_139 = tpu.memref_slice %arg7[%dma_wait3A_137, %dma_wait3A_138] : memref<125x80xi32, #tpu.memory_space<vmem>> -> memref<1x80xi32, #tpu.memory_space<vmem>>
            %dma_wait3A_140 = tpu.memref_squeeze %dma_wait3A_139 : memref<1x80xi32, #tpu.memory_space<vmem>> -> memref<80xi32, #tpu.memory_space<vmem>>
            %dma_wait3A_141 = arith.constant 0 : i32
            %dma_wait3A_142 = arith.constant 0 : i32
            %dma_wait3A_143 = tpu.memref_slice %arg11[%dma_wait3A_141, %dma_wait3A_142] : memref<10000x128xf32, #tpu.memory_space<vmem_shared>> -> memref<10000x128xf32, #tpu.memory_space<vmem_shared>>
            tpu.wait_indirect_dma semaphore(%arg15 : memref<!tpu.dma_semaphore, #tpu.memory_space<semaphore_mem>>) src(%arg8 : memref<80x128xf32, #tpu.memory_space<vmem>>) dst(%dma_wait3A_143 : memref<10000x128xf32, #tpu.memory_space<vmem_shared>>)
          } else {
          }
          %add3A_127 = arith.constant 3 : i32
          %add3A_128 = arith.addi %scan3A_48, %add3A_127 : i32
          %sub3A_129 = arith.constant 1 : i32
          %sub3A_130 = arith.subi %add3A_128, %sub3A_129 : i32
          %dma_start3A_131 = arith.constant 0 : i32
          %dma_start3A_132 = tpu.memref_slice %arg6[%sub3A_130, %dma_start3A_131] : memref<125x80xi32, #tpu.memory_space<vmem>> -> memref<1x80xi32, #tpu.memory_space<vmem>>
          %dma_start3A_133 = tpu.memref_squeeze %dma_start3A_132 : memref<1x80xi32, #tpu.memory_space<vmem>> -> memref<80xi32, #tpu.memory_space<vmem>>
          %dma_start3A_134 = arith.constant 0 : i32
          %dma_start3A_135 = arith.constant 0 : i32
          %dma_start3A_136 = tpu.memref_slice %arg2[%dma_start3A_134, %dma_start3A_135] : memref<10000x128xf32, #tpu.memory_space<hbm>> -> memref<10000x128xf32, #tpu.memory_space<hbm>>
          tpu.enqueue_indirect_dma source(%dma_start3A_136 : memref<10000x128xf32, #tpu.memory_space<hbm>>) target(%arg8 : memref<80x128xf32, #tpu.memory_space<vmem>>) offsets(%dma_start3A_133 : memref<80xi32, #tpu.memory_space<vmem>>) semaphore(%arg12 : memref<!tpu.dma_semaphore, #tpu.memory_space<semaphore_mem>>)
        } else {
        }
        %dma_start3A_117 = arith.constant 0 : i32
        %dma_start3A_118 = tpu.memref_slice %arg7[%scan3A_48, %dma_start3A_117] : memref<125x80xi32, #tpu.memory_space<vmem>> -> memref<1x80xi32, #tpu.memory_space<vmem>>
        %dma_start3A_119 = tpu.memref_squeeze %dma_start3A_118 : memref<1x80xi32, #tpu.memory_space<vmem>> -> memref<80xi32, #tpu.memory_space<vmem>>
        %dma_start3A_120 = arith.constant 0 : i32
        %dma_start3A_121 = arith.constant 0 : i32
        %dma_start3A_122 = tpu.memref_slice %arg11[%dma_start3A_120, %dma_start3A_121] : memref<10000x128xf32, #tpu.memory_space<vmem_shared>> -> memref<10000x128xf32, #tpu.memory_space<vmem_shared>>
        tpu.enqueue_indirect_dma source(%arg9 : memref<80x128xf32, #tpu.memory_space<vmem>>) target(%dma_start3A_122 : memref<10000x128xf32, #tpu.memory_space<vmem_shared>>) offsets(%dma_start3A_119 : memref<80xi32, #tpu.memory_space<vmem>>) semaphore(%arg16 : memref<!tpu.dma_semaphore, #tpu.memory_space<semaphore_mem>>) {add = true}
      } else {
      }
      %jit3A_82 = arith.constant 3 : i32
      %eq3A_83 = arith.constant 0 : i32
      %eq3A_84 = arith.cmpi eq, %jit3A_82, %eq3A_83 : i32
      %jit3A_85 = arith.constant 1 : i32
      %select_n3A_86 = arith.select %eq3A_84, %jit3A_85, %jit3A_82 : i32
      %rem3A_87 = arith.remsi %scan3A_48, %select_n3A_86 : i32
      %ne3A_88 = arith.constant 0 : i32
      %ne3A_89 = arith.cmpi ne, %rem3A_87, %ne3A_88 : i32
      %lt3A_90 = arith.constant 0 : i32
      %lt3A_91 = arith.cmpi slt, %rem3A_87, %lt3A_90 : i32
      %lt3A_92 = arith.constant 0 : i32
      %lt3A_93 = arith.cmpi slt, %select_n3A_86, %lt3A_92 : i32
      %ne3A_94 = arith.xori %lt3A_91, %lt3A_93 : i1
      %and3A_95 = arith.andi %ne3A_94, %ne3A_89 : i1
      %add3A_96 = arith.addi %rem3A_87, %select_n3A_86 : i32
      %select_n3A_97 = arith.select %and3A_95, %add3A_96, %rem3A_87 : i32
      %eq3A_98 = arith.constant 2 : i32
      %eq3A_99 = arith.cmpi eq, %select_n3A_97, %eq3A_98 : i32
      %convert_element_type3A_100 = arith.extui %eq3A_99 : i1 to i32
      %cond3A_101 = arith.constant 0 : i32
      %cond3A_102 = arith.cmpi ne, %convert_element_type3A_100, %cond3A_101 : i32
      scf.if %cond3A_102 {
        %dma_wait3A_103 = arith.constant 0 : i32
        %dma_wait3A_104 = tpu.memref_slice %arg6[%scan3A_48, %dma_wait3A_103] : memref<125x80xi32, #tpu.memory_space<vmem>> -> memref<1x80xi32, #tpu.memory_space<vmem>>
        %dma_wait3A_105 = tpu.memref_squeeze %dma_wait3A_104 : memref<1x80xi32, #tpu.memory_space<vmem>> -> memref<80xi32, #tpu.memory_space<vmem>>
        %dma_wait3A_106 = arith.constant 0 : i32
        %dma_wait3A_107 = arith.constant 0 : i32
        %dma_wait3A_108 = tpu.memref_slice %arg2[%dma_wait3A_106, %dma_wait3A_107] : memref<10000x128xf32, #tpu.memory_space<hbm>> -> memref<10000x128xf32, #tpu.memory_space<hbm>>
        tpu.wait_indirect_dma semaphore(%arg14 : memref<!tpu.dma_semaphore, #tpu.memory_space<semaphore_mem>>) src(%dma_wait3A_108 : memref<10000x128xf32, #tpu.memory_space<hbm>>) dst(%arg10 : memref<80x128xf32, #tpu.memory_space<vmem>>)
        %add3A_109 = arith.constant 3 : i32
        %add3A_110 = arith.addi %scan3A_48, %add3A_109 : i32
        %sub3A = arith.constant 1 : i32
        %sub3A_111 = arith.subi %add3A_110, %sub3A : i32
        %lt3A_112 = arith.constant 125 : i32
        %lt3A_113 = arith.cmpi slt, %sub3A_111, %lt3A_112 : i32
        %convert_element_type3A_114 = arith.extui %lt3A_113 : i1 to i32
        %cond3A_115 = arith.constant 0 : i32
        %cond3A_116 = arith.cmpi ne, %convert_element_type3A_114, %cond3A_115 : i32
        scf.if %cond3A_116 {
          %ge3A = arith.constant 1 : i32
          %ge3A_123 = arith.cmpi sge, %scan3A_48, %ge3A : i32
          %convert_element_type3A_124 = arith.extui %ge3A_123 : i1 to i32
          %cond3A_125 = arith.constant 0 : i32
          %cond3A_126 = arith.cmpi ne, %convert_element_type3A_124, %cond3A_125 : i32
          scf.if %cond3A_126 {
            %dma_wait3A_137 = arith.constant 0 : i32
            %dma_wait3A_138 = arith.constant 0 : i32
            %dma_wait3A_139 = tpu.memref_slice %arg7[%dma_wait3A_137, %dma_wait3A_138] : memref<125x80xi32, #tpu.memory_space<vmem>> -> memref<1x80xi32, #tpu.memory_space<vmem>>
            %dma_wait3A_140 = tpu.memref_squeeze %dma_wait3A_139 : memref<1x80xi32, #tpu.memory_space<vmem>> -> memref<80xi32, #tpu.memory_space<vmem>>
            %dma_wait3A_141 = arith.constant 0 : i32
            %dma_wait3A_142 = arith.constant 0 : i32
            %dma_wait3A_143 = tpu.memref_slice %arg11[%dma_wait3A_141, %dma_wait3A_142] : memref<10000x128xf32, #tpu.memory_space<vmem_shared>> -> memref<10000x128xf32, #tpu.memory_space<vmem_shared>>
            tpu.wait_indirect_dma semaphore(%arg16 : memref<!tpu.dma_semaphore, #tpu.memory_space<semaphore_mem>>) src(%arg9 : memref<80x128xf32, #tpu.memory_space<vmem>>) dst(%dma_wait3A_143 : memref<10000x128xf32, #tpu.memory_space<vmem_shared>>)
          } else {
          }
          %add3A_127 = arith.constant 3 : i32
          %add3A_128 = arith.addi %scan3A_48, %add3A_127 : i32
          %sub3A_129 = arith.constant 1 : i32
          %sub3A_130 = arith.subi %add3A_128, %sub3A_129 : i32
          %dma_start3A_131 = arith.constant 0 : i32
          %dma_start3A_132 = tpu.memref_slice %arg6[%sub3A_130, %dma_start3A_131] : memref<125x80xi32, #tpu.memory_space<vmem>> -> memref<1x80xi32, #tpu.memory_space<vmem>>
          %dma_start3A_133 = tpu.memref_squeeze %dma_start3A_132 : memref<1x80xi32, #tpu.memory_space<vmem>> -> memref<80xi32, #tpu.memory_space<vmem>>
          %dma_start3A_134 = arith.constant 0 : i32
          %dma_start3A_135 = arith.constant 0 : i32
          %dma_start3A_136 = tpu.memref_slice %arg2[%dma_start3A_134, %dma_start3A_135] : memref<10000x128xf32, #tpu.memory_space<hbm>> -> memref<10000x128xf32, #tpu.memory_space<hbm>>
          tpu.enqueue_indirect_dma source(%dma_start3A_136 : memref<10000x128xf32, #tpu.memory_space<hbm>>) target(%arg9 : memref<80x128xf32, #tpu.memory_space<vmem>>) offsets(%dma_start3A_133 : memref<80xi32, #tpu.memory_space<vmem>>) semaphore(%arg13 : memref<!tpu.dma_semaphore, #tpu.memory_space<semaphore_mem>>)
        } else {
        }
        %dma_start3A_117 = arith.constant 0 : i32
        %dma_start3A_118 = tpu.memref_slice %arg7[%scan3A_48, %dma_start3A_117] : memref<125x80xi32, #tpu.memory_space<vmem>> -> memref<1x80xi32, #tpu.memory_space<vmem>>
        %dma_start3A_119 = tpu.memref_squeeze %dma_start3A_118 : memref<1x80xi32, #tpu.memory_space<vmem>> -> memref<80xi32, #tpu.memory_space<vmem>>
        %dma_start3A_120 = arith.constant 0 : i32
        %dma_start3A_121 = arith.constant 0 : i32
        %dma_start3A_122 = tpu.memref_slice %arg11[%dma_start3A_120, %dma_start3A_121] : memref<10000x128xf32, #tpu.memory_space<vmem_shared>> -> memref<10000x128xf32, #tpu.memory_space<vmem_shared>>
        tpu.enqueue_indirect_dma source(%arg10 : memref<80x128xf32, #tpu.memory_space<vmem>>) target(%dma_start3A_122 : memref<10000x128xf32, #tpu.memory_space<vmem_shared>>) offsets(%dma_start3A_119 : memref<80xi32, #tpu.memory_space<vmem>>) semaphore(%arg17 : memref<!tpu.dma_semaphore, #tpu.memory_space<semaphore_mem>>) {add = true}
      } else {
      }
    }
    %scan3A_26 = arith.constant 125 : i32
    %dma_wait3A = arith.constant 0 : i32
    %dma_wait3A_27 = arith.constant 0 : i32
    %dma_wait3A_28 = tpu.memref_slice %arg7[%dma_wait3A, %dma_wait3A_27] : memref<125x80xi32, #tpu.memory_space<vmem>> -> memref<1x80xi32, #tpu.memory_space<vmem>>
    %dma_wait3A_29 = tpu.memref_squeeze %dma_wait3A_28 : memref<1x80xi32, #tpu.memory_space<vmem>> -> memref<80xi32, #tpu.memory_space<vmem>>
    %dma_wait3A_30 = arith.constant 0 : i32
    %dma_wait3A_31 = arith.constant 0 : i32
    %dma_wait3A_32 = tpu.memref_slice %arg11[%dma_wait3A_30, %dma_wait3A_31] : memref<10000x128xf32, #tpu.memory_space<vmem_shared>> -> memref<10000x128xf32, #tpu.memory_space<vmem_shared>>
    tpu.wait_indirect_dma semaphore(%arg15 : memref<!tpu.dma_semaphore, #tpu.memory_space<semaphore_mem>>) src(%arg8 : memref<80x128xf32, #tpu.memory_space<vmem>>) dst(%dma_wait3A_32 : memref<10000x128xf32, #tpu.memory_space<vmem_shared>>)
    %dma_wait3A_33 = arith.constant 0 : i32
    %dma_wait3A_34 = arith.constant 0 : i32
    %dma_wait3A_35 = tpu.memref_slice %arg7[%dma_wait3A_33, %dma_wait3A_34] : memref<125x80xi32, #tpu.memory_space<vmem>> -> memref<1x80xi32, #tpu.memory_space<vmem>>
    %dma_wait3A_36 = tpu.memref_squeeze %dma_wait3A_35 : memref<1x80xi32, #tpu.memory_space<vmem>> -> memref<80xi32, #tpu.memory_space<vmem>>
    %dma_wait3A_37 = arith.constant 0 : i32
    %dma_wait3A_38 = arith.constant 0 : i32
    %dma_wait3A_39 = tpu.memref_slice %arg11[%dma_wait3A_37, %dma_wait3A_38] : memref<10000x128xf32, #tpu.memory_space<vmem_shared>> -> memref<10000x128xf32, #tpu.memory_space<vmem_shared>>
    tpu.wait_indirect_dma semaphore(%arg16 : memref<!tpu.dma_semaphore, #tpu.memory_space<semaphore_mem>>) src(%arg9 : memref<80x128xf32, #tpu.memory_space<vmem>>) dst(%dma_wait3A_39 : memref<10000x128xf32, #tpu.memory_space<vmem_shared>>)
    %dma_wait3A_40 = arith.constant 0 : i32
    %dma_wait3A_41 = arith.constant 0 : i32
    %dma_wait3A_42 = tpu.memref_slice %arg7[%dma_wait3A_40, %dma_wait3A_41] : memref<125x80xi32, #tpu.memory_space<vmem>> -> memref<1x80xi32, #tpu.memory_space<vmem>>
    %dma_wait3A_43 = tpu.memref_squeeze %dma_wait3A_42 : memref<1x80xi32, #tpu.memory_space<vmem>> -> memref<80xi32, #tpu.memory_space<vmem>>
    %dma_wait3A_44 = arith.constant 0 : i32
    %dma_wait3A_45 = arith.constant 0 : i32
    %dma_wait3A_46 = tpu.memref_slice %arg11[%dma_wait3A_44, %dma_wait3A_45] : memref<10000x128xf32, #tpu.memory_space<vmem_shared>> -> memref<10000x128xf32, #tpu.memory_space<vmem_shared>>
    tpu.wait_indirect_dma semaphore(%arg17 : memref<!tpu.dma_semaphore, #tpu.memory_space<semaphore_mem>>) src(%arg10 : memref<80x128xf32, #tpu.memory_space<vmem>>) dst(%dma_wait3A_46 : memref<10000x128xf32, #tpu.memory_space<vmem_shared>>)
    %barrier3A_47 = arith.constant 0 : index
    tpu.barrier barrier_id(%barrier3A_47)
    "tpu.region"() ({
      %run_scoped3A_48 = tpu.sem_alloc : memref<!tpu.dma_semaphore, #tpu.memory_space<semaphore_mem>>
      %dma_start3A_49 = arith.constant 0 : i32
      %dma_start3A_50 = tpu.memref_slice %arg5[%arg0, %min3A_8, %dma_start3A_49] : memref<2x10000x128xf32, #tpu.memory_space<hbm>> -> memref<1x632x128xf32, #tpu.memory_space<hbm>>
      %dma_start3A_51 = tpu.memref_squeeze %dma_start3A_50 : memref<1x632x128xf32, #tpu.memory_space<hbm>> -> memref<632x128xf32, #tpu.memory_space<hbm>>
      %dma_start3A_52 = arith.constant 0 : i32
      %dma_start3A_53 = tpu.memref_slice %arg11[%min3A_8, %dma_start3A_52] : memref<10000x128xf32, #tpu.memory_space<vmem_shared>> -> memref<632x128xf32, #tpu.memory_space<vmem_shared>>
      tpu.enqueue_dma source(%dma_start3A_53 : memref<632x128xf32, #tpu.memory_space<vmem_shared>>) target(%dma_start3A_51 : memref<632x128xf32, #tpu.memory_space<hbm>>) target_semaphore(%run_scoped3A_48 : memref<!tpu.dma_semaphore, #tpu.memory_space<semaphore_mem>>)
      %dma_wait3A_54 = arith.constant 0 : i32
      %dma_wait3A_55 = tpu.memref_slice %arg5[%arg0, %min3A_8, %dma_wait3A_54] : memref<2x10000x128xf32, #tpu.memory_space<hbm>> -> memref<1x632x128xf32, #tpu.memory_space<hbm>>
      %dma_wait3A_56 = tpu.memref_squeeze %dma_wait3A_55 : memref<1x632x128xf32, #tpu.memory_space<hbm>> -> memref<632x128xf32, #tpu.memory_space<hbm>>
      %dma_wait3A_57 = arith.constant 0 : i32
      %dma_wait3A_58 = tpu.memref_slice %arg11[%min3A_8, %dma_wait3A_57] : memref<10000x128xf32, #tpu.memory_space<vmem_shared>> -> memref<632x128xf32, #tpu.memory_space<vmem_shared>>
      tpu.wait_dma2 semaphore(%run_scoped3A_48 : memref<!tpu.dma_semaphore, #tpu.memory_space<semaphore_mem>>) src(%dma_wait3A_58 : memref<632x128xf32, #tpu.memory_space<vmem_shared>>) dst(%dma_wait3A_56 : memref<632x128xf32, #tpu.memory_space<hbm>>)
      tpu.yield
    }) : () -> ()
    return
  }
}

module attributes {stable_mosaic.version = 14 : i64} {
  func.func @body(%arg0: i32, %arg1: memref<2000x128xf32, #tpu.memory_space<vmem>>, %arg2: memref<128x128xf32, #tpu.memory_space<vmem>>, %arg3: memref<2000x128xf32, #tpu.memory_space<vmem>>) attributes {dimension_semantics = [#tpu.dimension_semantics<arbitrary>], iteration_bounds = array<i64: 5>, scalar_prefetch = 0 : i64, scratch_operands = 0 : i64, tpu.core_type = #tpu.core_type<tc>, window_params = [{transform_indices = @transform_0, window_bounds = array<i64: 2000, 128>}, {pipeline_mode = #tpu.pipeline_mode<synchronous>, transform_indices = @transform_1, window_bounds = array<i64: 128, 128>}, {transform_indices = @transform_2, window_bounds = array<i64: 2000, 128>}]} {
    %get3A = arith.constant 0 : index
    %get3A_0 = arith.constant 0 : index
    %get3A_1 = vector.load %arg1[%get3A, %get3A_0] : memref<2000x128xf32, #tpu.memory_space<vmem>>, vector<2000x128xf32>
    %get3A_2 = arith.constant 0 : index
    %get3A_3 = arith.constant 0 : index
    %get3A_4 = vector.load %arg2[%get3A_2, %get3A_3] : memref<128x128xf32, #tpu.memory_space<vmem>>, vector<128x128xf32>
    %dot_general3A = arith.constant dense<0.000000e+00> : vector<2000x128xf32>
    %dot_general3A_5 = tpu.matmul %get3A_1, %get3A_4, %dot_general3A {dimension_numbers = #tpu.dot_dimension_numbers<[1], [0], [0], [1], [0, 0, 1, 1], [], []>, transpose_lhs_hint = false} : vector<2000x128xf32>, vector<128x128xf32>, vector<2000x128xf32> -> vector<2000x128xf32>
    %swap3A = arith.constant 0 : index
    %swap3A_6 = arith.constant 0 : index
    %swap3A_7 = vector.load %arg3[%swap3A, %swap3A_6] : memref<2000x128xf32, #tpu.memory_space<vmem>>, vector<2000x128xf32>
    tpu.vector_store %arg3[%swap3A, %swap3A_6], %dot_general3A_5 {strides = array<i32>} : memref<2000x128xf32, #tpu.memory_space<vmem>>, vector<2000x128xf32>,
    return
  }
  func.func @transform_0(%arg0: i32) -> (i32, i32) {
    %c0_i32 = arith.constant 0 : i32
    %c0_i32_0 = arith.constant 0 : i32
    return %arg0, %c0_i32 : i32, i32
  }
  func.func @transform_1(%arg0: i32) -> (i32, i32) {
    %c0_i32 = arith.constant 0 : i32
    %c0_i32_0 = arith.constant 0 : i32
    %c0_i32_1 = arith.constant 0 : i32
    return %c0_i32, %c0_i32_0 : i32, i32
  }
  func.func @transform_2(%arg0: i32) -> (i32, i32) {
    %c0_i32 = arith.constant 0 : i32
    %c0_i32_0 = arith.constant 0 : i32
    return %arg0, %c0_i32 : i32, i32
  }
}

module attributes {stable_mosaic.version = 14 : i64} {
  func.func @body(%arg0: i32, %arg1: memref<2000x128xf32, #tpu.memory_space<vmem>>, %arg2: memref<2000x2xf32, #tpu.memory_space<vmem>>, %arg3: memref<2000x128xf32, #tpu.memory_space<vmem>>, %arg4: memref<2000x1xf32, #tpu.memory_space<vmem>>) attributes {dimension_semantics = [#tpu.dimension_semantics<arbitrary>], iteration_bounds = array<i64: 5>, scalar_prefetch = 0 : i64, scratch_operands = 0 : i64, tpu.core_type = #tpu.core_type<tc>, window_params = [{transform_indices = @transform_0, window_bounds = array<i64: 2000, 128>}, {transform_indices = @transform_1, window_bounds = array<i64: 2000, 2>}, {transform_indices = @transform_2, window_bounds = array<i64: 2000, 128>}, {transform_indices = @transform_3, window_bounds = array<i64: 2000, 1>}]} {
    %get3A = arith.constant 0 : index
    %get3A_0 = arith.constant 0 : index
    %get3A_1 = vector.load %arg2[%get3A, %get3A_0] : memref<2000x2xf32, #tpu.memory_space<vmem>>, vector<2000x1xf32>
    %get3A_2 = arith.constant 0 : index
    %get3A_3 = arith.constant 1 : index
    %get3A_4 = vector.load %arg2[%get3A_2, %get3A_3] : memref<2000x2xf32, #tpu.memory_space<vmem>>, vector<2000x1xf32>
    %add3A = arith.addf %get3A_1, %get3A_4 : vector<2000x1xf32>
    %add3A_5 = arith.constant 1.000000e+00 : f32
    %add3A_6 = vector.broadcast %add3A_5 : f32 to vector<2000x1xf32>
    %add3A_7 = arith.addf %add3A, %add3A_6 : vector<2000x1xf32>
    %rsqrt3A = math.rsqrt %add3A_7 : vector<2000x1xf32>
    %get3A_8 = arith.constant 0 : index
    %get3A_9 = arith.constant 0 : index
    %get3A_10 = vector.load %arg1[%get3A_8, %get3A_9] : memref<2000x128xf32, #tpu.memory_space<vmem>>, vector<2000x128xf32>
    %mul3A = vector.broadcast %rsqrt3A : vector<2000x1xf32> to vector<2000x128xf32>
    %mul3A_11 = arith.mulf %get3A_10, %mul3A : vector<2000x128xf32>
    %swap3A = arith.constant 0 : index
    %swap3A_12 = arith.constant 0 : index
    %swap3A_13 = vector.load %arg3[%swap3A, %swap3A_12] : memref<2000x128xf32, #tpu.memory_space<vmem>>, vector<2000x128xf32>
    tpu.vector_store %arg3[%swap3A, %swap3A_12], %mul3A_11 {strides = array<i32>} : memref<2000x128xf32, #tpu.memory_space<vmem>>, vector<2000x128xf32>,
    %swap3A_14 = arith.constant 0 : index
    %swap3A_15 = arith.constant 0 : index
    %swap3A_16 = vector.load %arg4[%swap3A_14, %swap3A_15] : memref<2000x1xf32, #tpu.memory_space<vmem>>, vector<2000x1xf32>
    tpu.vector_store %arg4[%swap3A_14, %swap3A_15], %rsqrt3A {strides = array<i32>} : memref<2000x1xf32, #tpu.memory_space<vmem>>, vector<2000x1xf32>,
    return
  }
  func.func @transform_0(%arg0: i32) -> (i32, i32) {
    %c0_i32 = arith.constant 0 : i32
    %c0_i32_0 = arith.constant 0 : i32
    return %arg0, %c0_i32 : i32, i32
  }
  func.func @transform_1(%arg0: i32) -> (i32, i32) {
    %c0_i32 = arith.constant 0 : i32
    %c0_i32_0 = arith.constant 0 : i32
    return %arg0, %c0_i32 : i32, i32
  }
  func.func @transform_2(%arg0: i32) -> (i32, i32) {
    %c0_i32 = arith.constant 0 : i32
    %c0_i32_0 = arith.constant 0 : i32
    return %arg0, %c0_i32 : i32, i32
  }
  func.func @transform_3(%arg0: i32) -> (i32, i32) {
    %c0_i32 = arith.constant 0 : i32
    %c0_i32_0 = arith.constant 0 : i32
    return %arg0, %c0_i32 : i32, i32
  }
}

module attributes {stable_mosaic.version = 14 : i64} {
  func.func @body(%arg0: i32, %arg1: memref<2x2000x128xf32, #tpu.memory_space<vmem>>, %arg2: memref<2000x128xf32, #tpu.memory_space<vmem>>, %arg3: memref<2000x1xf32, #tpu.memory_space<vmem>>, %arg4: memref<1x128xf32, #tpu.memory_space<vmem>>, %arg5: memref<128x40xf32, #tpu.memory_space<vmem>>, %arg6: memref<2000x40xf32, #tpu.memory_space<vmem>>) attributes {dimension_semantics = [#tpu.dimension_semantics<arbitrary>], iteration_bounds = array<i64: 5>, scalar_prefetch = 0 : i64, scratch_operands = 0 : i64, tpu.core_type = #tpu.core_type<tc>, window_params = [{transform_indices = @transform_0, window_bounds = array<i64: 2, 2000, 128>}, {transform_indices = @transform_1, window_bounds = array<i64: 2000, 128>}, {transform_indices = @transform_2, window_bounds = array<i64: 2000, 1>}, {pipeline_mode = #tpu.pipeline_mode<synchronous>, transform_indices = @transform_3, window_bounds = array<i64: 1, 128>}, {pipeline_mode = #tpu.pipeline_mode<synchronous>, transform_indices = @transform_4, window_bounds = array<i64: 128, 40>}, {transform_indices = @transform_5, window_bounds = array<i64: 2000, 40>}]} {
    %get3A = arith.constant 0 : index
    %get3A_0 = arith.constant 0 : index
    %get3A_1 = arith.constant 0 : index
    %get3A_2 = vector.load %arg1[%get3A, %get3A_0, %get3A_1] : memref<2x2000x128xf32, #tpu.memory_space<vmem>>, vector<1x2000x128xf32>
    %get3A_3 = vector.shape_cast %get3A_2 : vector<1x2000x128xf32> to vector<2000x128xf32>
    %get3A_4 = arith.constant 1 : index
    %get3A_5 = arith.constant 0 : index
    %get3A_6 = arith.constant 0 : index
    %get3A_7 = vector.load %arg1[%get3A_4, %get3A_5, %get3A_6] : memref<2x2000x128xf32, #tpu.memory_space<vmem>>, vector<1x2000x128xf32>
    %get3A_8 = vector.shape_cast %get3A_7 : vector<1x2000x128xf32> to vector<2000x128xf32>
    %add3A = arith.addf %get3A_3, %get3A_8 : vector<2000x128xf32>
    %get3A_9 = arith.constant 0 : index
    %get3A_10 = arith.constant 0 : index
    %get3A_11 = vector.load %arg2[%get3A_9, %get3A_10] : memref<2000x128xf32, #tpu.memory_space<vmem>>, vector<2000x128xf32>
    %add3A_12 = arith.addf %add3A, %get3A_11 : vector<2000x128xf32>
    %get3A_13 = arith.constant 0 : index
    %get3A_14 = arith.constant 0 : index
    %get3A_15 = vector.load %arg3[%get3A_13, %get3A_14] : memref<2000x1xf32, #tpu.memory_space<vmem>>, vector<2000x1xf32>
    %mul3A = vector.broadcast %get3A_15 : vector<2000x1xf32> to vector<2000x128xf32>
    %mul3A_16 = arith.mulf %add3A_12, %mul3A : vector<2000x128xf32>
    %get3A_17 = arith.constant 0 : index
    %get3A_18 = arith.constant 0 : index
    %get3A_19 = vector.load %arg4[%get3A_17, %get3A_18] : memref<1x128xf32, #tpu.memory_space<vmem>>, vector<1x128xf32>
    %add3A_20 = vector.broadcast %get3A_19 : vector<1x128xf32> to vector<2000x128xf32>
    %add3A_21 = arith.addf %mul3A_16, %add3A_20 : vector<2000x128xf32>
    %max3A = arith.constant 0.000000e+00 : f32
    %max3A_22 = vector.broadcast %max3A : f32 to vector<2000x128xf32>
    %max3A_23 = arith.maximumf %add3A_21, %max3A_22 : vector<2000x128xf32>
    %get3A_24 = arith.constant 0 : index
    %get3A_25 = arith.constant 0 : index
    %get3A_26 = vector.load %arg5[%get3A_24, %get3A_25] : memref<128x40xf32, #tpu.memory_space<vmem>>, vector<128x40xf32>
    %dot_general3A = arith.constant dense<0.000000e+00> : vector<2000x40xf32>
    %dot_general3A_27 = tpu.matmul %max3A_23, %get3A_26, %dot_general3A {dimension_numbers = #tpu.dot_dimension_numbers<[1], [0], [0], [1], [0, 0, 1, 1], [], []>, transpose_lhs_hint = false} : vector<2000x128xf32>, vector<128x40xf32>, vector<2000x40xf32> -> vector<2000x40xf32>
    %get3A_28 = arith.constant 0 : index
    %get3A_29 = arith.constant 0 : index
    %get3A_30 = vector.load %arg3[%get3A_28, %get3A_29] : memref<2000x1xf32, #tpu.memory_space<vmem>>, vector<2000x1xf32>
    %mul3A_31 = vector.broadcast %get3A_30 : vector<2000x1xf32> to vector<2000x40xf32>
    %mul3A_32 = arith.mulf %dot_general3A_27, %mul3A_31 : vector<2000x40xf32>
    %swap3A = arith.constant 0 : index
    %swap3A_33 = arith.constant 0 : index
    %swap3A_34 = vector.load %arg6[%swap3A, %swap3A_33] : memref<2000x40xf32, #tpu.memory_space<vmem>>, vector<2000x40xf32>
    tpu.vector_store %arg6[%swap3A, %swap3A_33], %mul3A_32 {strides = array<i32>} : memref<2000x40xf32, #tpu.memory_space<vmem>>, vector<2000x40xf32>,
    return
  }
  func.func @transform_0(%arg0: i32) -> (i32, i32, i32) {
    %c0_i32 = arith.constant 0 : i32
    %c0_i32_0 = arith.constant 0 : i32
    %c0_i32_1 = arith.constant 0 : i32
    return %c0_i32, %arg0, %c0_i32_0 : i32, i32, i32
  }
  func.func @transform_1(%arg0: i32) -> (i32, i32) {
    %c0_i32 = arith.constant 0 : i32
    %c0_i32_0 = arith.constant 0 : i32
    return %arg0, %c0_i32 : i32, i32
  }
  func.func @transform_2(%arg0: i32) -> (i32, i32) {
    %c0_i32 = arith.constant 0 : i32
    %c0_i32_0 = arith.constant 0 : i32
    return %arg0, %c0_i32 : i32, i32
  }
  func.func @transform_3(%arg0: i32) -> (i32, i32) {
    %c0_i32 = arith.constant 0 : i32
    %c0_i32_0 = arith.constant 0 : i32
    %c0_i32_1 = arith.constant 0 : i32
    return %c0_i32, %c0_i32_0 : i32, i32
  }
  func.func @transform_4(%arg0: i32) -> (i32, i32) {
    %c0_i32 = arith.constant 0 : i32
    %c0_i32_0 = arith.constant 0 : i32
    %c0_i32_1 = arith.constant 0 : i32
    return %c0_i32, %c0_i32_0 : i32, i32
  }
  func.func @transform_5(%arg0: i32) -> (i32, i32) {
    %c0_i32 = arith.constant 0 : i32
    %c0_i32_0 = arith.constant 0 : i32
    return %arg0, %c0_i32 : i32, i32
  }
}

module attributes {stable_mosaic.version = 14 : i64} {
  func.func @body(%arg0: i32, %arg1: memref<2x2000x40xf32, #tpu.memory_space<vmem>>, %arg2: memref<2000x40xf32, #tpu.memory_space<vmem>>, %arg3: memref<2000x1xf32, #tpu.memory_space<vmem>>, %arg4: memref<1x40xf32, #tpu.memory_space<vmem>>, %arg5: memref<2000x40xf32, #tpu.memory_space<vmem>>) attributes {dimension_semantics = [#tpu.dimension_semantics<arbitrary>], iteration_bounds = array<i64: 5>, scalar_prefetch = 0 : i64, scratch_operands = 0 : i64, tpu.core_type = #tpu.core_type<tc>, window_params = [{transform_indices = @transform_0, window_bounds = array<i64: 2, 2000, 40>}, {transform_indices = @transform_1, window_bounds = array<i64: 2000, 40>}, {transform_indices = @transform_2, window_bounds = array<i64: 2000, 1>}, {pipeline_mode = #tpu.pipeline_mode<synchronous>, transform_indices = @transform_3, window_bounds = array<i64: 1, 40>}, {transform_indices = @transform_4, window_bounds = array<i64: 2000, 40>}]} {
    %get3A = arith.constant 0 : index
    %get3A_0 = arith.constant 0 : index
    %get3A_1 = arith.constant 0 : index
    %get3A_2 = vector.load %arg1[%get3A, %get3A_0, %get3A_1] : memref<2x2000x40xf32, #tpu.memory_space<vmem>>, vector<1x2000x40xf32>
    %get3A_3 = vector.shape_cast %get3A_2 : vector<1x2000x40xf32> to vector<2000x40xf32>
    %get3A_4 = arith.constant 1 : index
    %get3A_5 = arith.constant 0 : index
    %get3A_6 = arith.constant 0 : index
    %get3A_7 = vector.load %arg1[%get3A_4, %get3A_5, %get3A_6] : memref<2x2000x40xf32, #tpu.memory_space<vmem>>, vector<1x2000x40xf32>
    %get3A_8 = vector.shape_cast %get3A_7 : vector<1x2000x40xf32> to vector<2000x40xf32>
    %add3A = arith.addf %get3A_3, %get3A_8 : vector<2000x40xf32>
    %get3A_9 = arith.constant 0 : index
    %get3A_10 = arith.constant 0 : index
    %get3A_11 = vector.load %arg2[%get3A_9, %get3A_10] : memref<2000x40xf32, #tpu.memory_space<vmem>>, vector<2000x40xf32>
    %add3A_12 = arith.addf %add3A, %get3A_11 : vector<2000x40xf32>
    %get3A_13 = arith.constant 0 : index
    %get3A_14 = arith.constant 0 : index
    %get3A_15 = vector.load %arg3[%get3A_13, %get3A_14] : memref<2000x1xf32, #tpu.memory_space<vmem>>, vector<2000x1xf32>
    %mul3A = vector.broadcast %get3A_15 : vector<2000x1xf32> to vector<2000x40xf32>
    %mul3A_16 = arith.mulf %add3A_12, %mul3A : vector<2000x40xf32>
    %get3A_17 = arith.constant 0 : index
    %get3A_18 = arith.constant 0 : index
    %get3A_19 = vector.load %arg4[%get3A_17, %get3A_18] : memref<1x40xf32, #tpu.memory_space<vmem>>, vector<1x40xf32>
    %add3A_20 = vector.broadcast %get3A_19 : vector<1x40xf32> to vector<2000x40xf32>
    %add3A_21 = arith.addf %mul3A_16, %add3A_20 : vector<2000x40xf32>
    %reduce_max3A = arith.constant dense<0xFF800000> : vector<2000xf32>
    %reduce_max3A_22 = vector.multi_reduction <maximumf>, %add3A_21, %reduce_max3A [1] : vector<2000x40xf32> to vector<2000xf32>
    %broadcast_in_dim3A = vector.shape_cast %reduce_max3A_22 : vector<2000xf32> to vector<2000x1xf32>
    %sub3A = vector.broadcast %broadcast_in_dim3A : vector<2000x1xf32> to vector<2000x40xf32>
    %sub3A_23 = arith.subf %add3A_21, %sub3A : vector<2000x40xf32>
    %exp3A = math.exp %sub3A_23 : vector<2000x40xf32>
    %reduce_sum3A = arith.constant dense<0.000000e+00> : vector<2000xf32>
    %reduce_sum3A_24 = vector.multi_reduction <add>, %exp3A, %reduce_sum3A [1] : vector<2000x40xf32> to vector<2000xf32>
    %broadcast_in_dim3A_25 = vector.shape_cast %reduce_sum3A_24 : vector<2000xf32> to vector<2000x1xf32>
    %div3A = vector.broadcast %broadcast_in_dim3A_25 : vector<2000x1xf32> to vector<2000x40xf32>
    %div3A_26 = arith.divf %exp3A, %div3A : vector<2000x40xf32>
    %swap3A = arith.constant 0 : index
    %swap3A_27 = arith.constant 0 : index
    %swap3A_28 = vector.load %arg5[%swap3A, %swap3A_27] : memref<2000x40xf32, #tpu.memory_space<vmem>>, vector<2000x40xf32>
    tpu.vector_store %arg5[%swap3A, %swap3A_27], %div3A_26 {strides = array<i32>} : memref<2000x40xf32, #tpu.memory_space<vmem>>, vector<2000x40xf32>,
    return
  }
  func.func @transform_0(%arg0: i32) -> (i32, i32, i32) {
    %c0_i32 = arith.constant 0 : i32
    %c0_i32_0 = arith.constant 0 : i32
    %c0_i32_1 = arith.constant 0 : i32
    return %c0_i32, %arg0, %c0_i32_0 : i32, i32, i32
  }
  func.func @transform_1(%arg0: i32) -> (i32, i32) {
    %c0_i32 = arith.constant 0 : i32
    %c0_i32_0 = arith.constant 0 : i32
    return %arg0, %c0_i32 : i32, i32
  }
  func.func @transform_2(%arg0: i32) -> (i32, i32) {
    %c0_i32 = arith.constant 0 : i32
    %c0_i32_0 = arith.constant 0 : i32
    return %arg0, %c0_i32 : i32, i32
  }
  func.func @transform_3(%arg0: i32) -> (i32, i32) {
    %c0_i32 = arith.constant 0 : i32
    %c0_i32_0 = arith.constant 0 : i32
    %c0_i32_1 = arith.constant 0 : i32
    return %c0_i32, %c0_i32_0 : i32, i32
  }
  func.func @transform_4(%arg0: i32) -> (i32, i32) {
    %c0_i32 = arith.constant 0 : i32
    %c0_i32_0 = arith.constant 0 : i32
    return %arg0, %c0_i32 : i32, i32
  }
}

</mosaic_0001>

<sc_bundles>
// kernel: kernel.12.cloned.1.call-start
scs
__scs_entry_jumppad:
0x0: {  	(pc) =	sbr.rel $0x88, $3  }
0x1: {  	(tag) =	ssettag $0x0;
	lr =	simm.s32 $0x1  }
0x2: {  	[smem:$0x3F9B] =	sst lr;
	_ =	strace $0xD0000000  }
0x3: {  	_ = 	snop  }
0x4: {  	_ = 	snop  }
0x5: {  	_ = 	snop  }
0x6: {  	_ = 	snop  }
0x7: {  	_ = 	snop  }
__scs_overlays_trampoline_lowered:
0x8: {  	[smem:$0x3FAA] =	sst s0  }
0x9: {  	[smem:$0x3FAB] =	sst s1  }
0xa: {  	[smem:$0x3FAC] =	sst s2  }
0xb: {  	[smem:$0x3FAD] =	sst s3  }
0xc: {  	[smem:$0x3FAE] =	sst s4  }
0xd: {  	[smem:$0x3FAF] =	sst s5  }
0xe: {  	[smem:$0x3FB0] =	sst s6  }
0xf: {  	[smem:$0x3FB1] =	sst s7  }
0x10: {  	[smem:$0x3FB2] =	sst s8  }
0x11: {  	[smem:$0x3FB3] =	sst s9;
	s0 =	simm.s32 @!p0 $0x0  }
0x12: {  	s1 =	sld [smem:$0x3F99];
	s0 =	simm.s32 @p0 $0x1  }
0x13: {  	[smem:$0x3FB4] =	sst s0;
	s0 =	simm.s32 @!p1 $0x0  }
0x14: {  	s2 =	sld [smem:$0x3F98];
	s0 =	simm.s32 @p1 $0x1  }
0x15: {  	[smem:$0x3FB5] =	sst s0;
	s0 =	simm.s32 @!p2 $0x0  }
0x16: {  	s3 =	sld [smem:$0x3FDB];
	s0 =	simm.s32 @p2 $0x1  }
0x17: {  	s4 =	simm.s32 $0x1BF5;
	[smem:$0x3FB7] =	sst s0  }
0x18: {  	s0 =	sld [smem:$0x3F9A];
	_ =	swait.ge [sflag:s4], $0x0  }
0x19: {  	s7 =	sld [smem:$0x3F9B]  }
0x1a: {  	s8 =	sadd.s32 $0xFFFFE003, lr  }
0x1b: {  	s9 =	sadd.s32 $0xFFFFFEF7, lr;
	s5 =	simm.s32 $0xFFFFFFFF;
	p2 =	slt.u32 s8, $0xFFFFF086  }
0x1c: {  	p1 =	slt.u32 s9, $0xF7A;
	s5 =	simm.s32 @!p2 $0x0  }
0x1d: {  	s5 =	simm.s32 @p1 $0x1;
	p0 =	seq.s32 s7, s2  }
0x1e: {  	s7 =	smul.u32 @!p0 $0xF7A, s2;
	p2 =	seq.s32 @!p0 s5, $0x0  }
0x1f: {  	s9 =	smul.u32 $0xF7A, s1;
	s8 =	simm.s32 @!p0 $0x1BF5;
	p2 =	por !p2, p0  }
0x20: {  	[sflag:s8] =	ssyncset.s32 @!p0 $0xFFFFF086;
	s6 =	sadd.s32 @!p0 s3, s7;
	s7 =	simm.s32 @!p0 $0x108  }
0x21: {  	s3 =	sadd.s32 s3, s9;
	s6 =	sadd.s32 @!p0 $0x88, s6;
	s7 =	simm.s32 @p2 $0x1082  }
0x22: {  	[simem:s7], [sflag:s8] =	dma.local @!p0 [hbm:s6], $0xF7A  }
0x23: {  	s9 =	sor.u32 $0xD0000000, s2;
	s6 =	simm.s32 $0x108;
	_ =	swait.ge @!p0 [sflag:s8], $0x0  }
0x24: {  	s3 =	sadd.s32 $0x88, s3;
	s6 =	simm.s32 @!p1 $0x1082;
	[sflag:s4] =	ssyncset.s32 $0xFFFFF086  }
0x25: {  	[simem:s6], [sflag:s4] =	dma.local [hbm:s3], $0xF7A  }
0x26: {  	[smem:$0x3F9B] =	sst s1;
	(tag) =	ssettag s2;
	_ =	strace s9  }
0x27: {  	s1 =	sld [smem:$0x3FAB]  }
0x28: {  	s2 =	sld [smem:$0x3FAC]  }
0x29: {  	s4 =	sld [smem:$0x3FAE]  }
0x2a: {  	p0 =	seq.s32 s5, $0x0;
	s5 =	sld [smem:$0x3FAF]  }
0x2b: {  	s6 =	sld [smem:$0x3FB0]  }
0x2c: {  	s7 =	sld [smem:$0x3FB1]  }
0x2d: {  	s3 =	simm.s32 $0x108;
	s8 =	sld [smem:$0x3FB2]  }
0x2e: {  	s3 =	simm.s32 @!p0 $0x1082;
	s9 =	sld [smem:$0x3FB3]  }
0x2f: {  	lr =	sadd.s32 s0, s3;
	s0 =	sld [smem:$0x3FAA]  }
0x30: {  	s3 =	sld [smem:$0x3FAD]  }
0x31: {  	[smem:$0x3FB6] =	sst s10  }
0x32: {  	s10 =	sld [smem:$0x3FB4];
	_ =	sdelay $0x3  }
0x33: {  	p0 =	seq.s32 s10, $0x1;
	s10 =	sld [smem:$0x3FB6];
	_ =	sdelay $0x3  }
0x34: {  	[smem:$0x3FB6] =	sst s10  }
0x35: {  	s10 =	sld [smem:$0x3FB5];
	_ =	sdelay $0x3  }
0x36: {  	p1 =	seq.s32 s10, $0x1;
	s10 =	sld [smem:$0x3FB6];
	_ =	sdelay $0x3  }
0x37: {  	[smem:$0x3FB6] =	sst s10  }
0x38: {  	s10 =	sld [smem:$0x3FB7]  }
0x39: {  	_ = 	snop;
	(pc) =	sbr.ind lr, $3  }
0x3a: {  	_ = 	snop  }
0x3b: {  	_ = 	snop  }
0x3c: {  	p2 =	seq.s32 s10, $0x1;
	s10 =	sld [smem:$0x3FB6]  }
0x3d: {  	_ =	shalt  }
0x3e: {  	_ =	shalt  }
0x3f: {  	_ =	shalt  }
0x40: {  	_ =	shalt  }
0x41: {  	_ =	shalt  }
0x42: {  	_ =	shalt  }
0x43: {  	_ =	shalt  }
0x44: {  	_ =	shalt  }
0x45: {  	_ =	shalt  }
0x46: {  	_ =	shalt  }
0x47: {  	_ =	shalt  }
0x48: {  	_ =	shalt  }
0x49: {  	_ =	shalt  }
0x4a: {  	_ =	shalt  }
0x4b: {  	_ =	shalt  }
0x4c: {  	_ =	shalt  }
0x4d: {  	_ =	shalt  }
0x4e: {  	_ =	shalt  }
0x4f: {  	_ =	shalt  }
0x50: {  	_ =	shalt  }
0x51: {  	_ =	shalt  }
0x52: {  	_ =	shalt  }
0x53: {  	_ =	shalt  }
0x54: {  	_ =	shalt  }
0x55: {  	_ =	shalt  }
0x56: {  	_ =	shalt  }
0x57: {  	_ =	shalt  }
0x58: {  	_ =	shalt  }
0x59: {  	_ =	shalt  }
0x5a: {  	_ =	shalt  }
0x5b: {  	_ =	shalt  }
0x5c: {  	_ =	shalt  }
0x5d: {  	_ =	shalt  }
0x5e: {  	_ =	shalt  }
0x5f: {  	_ =	shalt  }
0x60: {  	_ =	shalt  }
0x61: {  	_ =	shalt  }
0x62: {  	_ =	shalt  }
0x63: {  	_ =	shalt  }
0x64: {  	_ =	shalt  }
0x65: {  	_ =	shalt  }
0x66: {  	_ =	shalt  }
0x67: {  	_ =	shalt  }
0x68: {  	_ =	shalt  }
0x69: {  	_ =	shalt  }
0x6a: {  	_ =	shalt  }
0x6b: {  	_ =	shalt  }
0x6c: {  	_ =	shalt  }
0x6d: {  	_ =	shalt  }
0x6e: {  	_ =	shalt  }
0x6f: {  	_ =	shalt  }
0x70: {  	_ =	shalt  }
0x71: {  	_ =	shalt  }
0x72: {  	_ =	shalt  }
0x73: {  	_ =	shalt  }
0x74: {  	_ =	shalt  }
0x75: {  	_ =	shalt  }
0x76: {  	_ =	shalt  }
0x77: {  	_ =	shalt  }
0x78: {  	_ =	shalt  }
0x79: {  	_ =	shalt  }
0x7a: {  	_ =	shalt  }
0x7b: {  	_ =	shalt  }
0x7c: {  	_ =	shalt  }
0x7d: {  	_ =	shalt  }
0x7e: {  	_ =	shalt  }
0x7f: {  	_ =	shalt  }
0x80: {  	_ =	shalt  }
0x81: {  	_ =	shalt  }
0x82: {  	_ =	shalt  }
0x83: {  	_ =	shalt  }
0x84: {  	_ =	shalt  }
0x85: {  	_ =	shalt  }
0x86: {  	_ =	shalt  }
0x87: {  	_ =	shalt  }
.Lfunc_end0:
.L_simem_size_0:
called_computation.1_lowered:
.L_overlay_start_0:
0x88: {  	s2 =	sld [smem:$0x3FD9]  }
0x89: {  	s3 =	sld [smem:$0x3FFE];
	_ =	sdelay $0x1  }
0x8a: {  	s1 =	srdreg.scid  }
0x8b: {  	s0 =	sand.u32 $0x1, s1  }
0x8c: {  	s17 =	sshll.u32 s0, $0xA;
	s2 =	sadd.s32 s3, s2  }
0x8d: {  	s2 =	sadd.s32 s2, s17  }
0x8e: {  	[smem:$0x3FC2] =	sst s2  }
0x8f: {  	_ = 	snop  }
0x90: {  	s2 =	sld [smem:$0x3FD0];
	(tm) =	ssettm $0x1  }
0x91: {  	s18 =	sld [smem:$0x3FFB];
	_ =	sdelay $0x3  }
0x92: {  	_ =	strace s18  }
0x93: {  	s3 =	sld [smem:$0x3FFC];
	_ =	sdelay $0x3  }
0x94: {  	_ =	strace s3  }
0x95: {  	s3 =	sld [smem:$0x3FFD];
	_ =	sdelay $0x3  }
0x96: {  	_ =	strace s3  }
0x97: {  	_ =	strace $0x8FFFFFFF  }
0x98: {  	s19 =	sld [smem:$0x3FDB];
	_ =	sdelay $0x1  }
0x99: {  	s4 =	simm.s32 $_scs_section_size  }
0x9a: {  	s5 =	simm.s32 $_size__tile_overlayer_lowered;
	s6 =	simm.s32 $_tile_overlayer_lowered  }
0x9b: {  	s22 =	simm.s32 $0x1BFF;
	s21 =	sshll.u32 s6, $0x1;
	s3 =	sadd.s32 s4, s19  }
0x9c: {  	s7 =	simm.s32 $0x0;
	s20 =	sshll.u32 s5, $0x1;
	s5 =	sadd.s32 s21, s3  }
0x9d: {  	[timem:s7], [sflag:s22] =	dma.local [hbm:s5], s20  }
0x9e: {  	_ =	swait.ge [sflag:s22], s20  }
0x9f: {  	s4 =	ssub.s32 $0x0, s20;
	[sflag:s22] =	ssyncset.done $0x0  }
0xa0: {  	[sflag:s22] =	ssyncadd.s32 s4;
	_ =	sdelay $0x1  }
0xa1: {  	s23 =	simm.s32 $0x1B8B  }
0xa2: {  	_ =	swait.ge [sflag:s23], $0x1  }
0xa3: {  	[sflag:s23] =	ssyncset.done $0x0  }
0xa4: {  	s25 =	simm.s32 $0x1B8E;
	s24 =	sld [smem:$0x3FFE];
	[sflag:s23] =	ssyncadd.s32 $0xFFFFFFFF  }
0xa5: {  	s26 =	simm.s32 $execute0_lowered;
	[smem:$0x3FD2] =	sst s25  }
0xa6: {  	s5 =	sshll.u32 s26, $0x1;
	_ =	strace $0x80000049;
	[dreg:$0x1] =	wrdreg $0xFFFFFFFF  }
0xa7: {  	s28 =	simm.s32 $_size_execute0_lowered;
	s3 =	sadd.s32 s3, s5;
	[dreg:$0x0] =	wrdreg $0x0  }
0xa8: {  	s5 =	sshll.u32 s28, $0x1;
	[dreg:$0x2] =	wrdreg s3  }
0xa9: {  	[dreg:$0x3] =	wrdreg s5  }
0xaa: {  	[dreg:$0x4] =	wrdreg $0xC0  }
0xab: {  	_ =	task [dreg:s7], $0x5FFFF  }
0xac: {  	[dreg:$0x1] =	wrdreg $0xFFFFFFFF  }
0xad: {  	[dreg:$0x0] =	wrdreg $0x60  }
0xae: {  	[dreg:$0x2] =	wrdreg s24  }
0xaf: {  	[dreg:$0x3] =	wrdreg s2  }
0xb0: {  	[dreg:$0x4] =	wrdreg $0xC6200  }
0xb1: {  	[dreg:$0x5] =	wrdreg $0x9  }
0xb2: {  	_ =	task.clear_ibuf [dreg:s7], $0x6FFFF;
	_ =	strace $0x90000049  }
0xb3: {  	s29 =	simm.s32 $0x9;
	_ =	strace $0x8000004B  }
0xb4: {  	_ =	swait.ge [sflag:s29], $0x1  }
0xb5: {  	[sflag:s29] =	ssyncadd.s32 $0xFFFFFFFF  }
0xb6: {  	_ =	strace $0x9000004B  }
0xb7: {  	_ =	sfence  }
0xb8: {  	s30 =	sld [smem:$0x0];
	_ =	sdelay $0x2  }
0xb9: {  	s31 =	sshll.u32 s1, $0xD;
	s1 =	sshrl.u32 s1, $0x2  }
0xba: {  	s3 =	sand.u32 $0x4000, s31;
	s1 =	sadd.s32 s1, s30  }
0xbb: {  	s0 =	sor.u32 s3, s0;
	s1 =	sshll.u32 s1, $0x11  }
0xbc: {  	s0 =	sor.u32 s1, s0  }
0xbd: {  	s0 =	sadd.s32 $0x8F2B, s0  }
0xbe: {  	[sflag:s0] =	ssyncadd.remote.s32 $0x1  }
0xbf: {  	_ =	sfence.sel $0xFFFF  }
0xc0: {  	[dreg:$0x0] =	wrdreg $0xFFFFFFFF;
	(pc) =	sbr.abs _section_cstart, $3  }
0xc1: {  	[dreg:$0x1] =	wrdreg $0xFFFFFFFF  }
0xc2: {  	_ =	task.clear_ibuf [dreg:s7], $0x2FFFF;
	_ =	strace $0x9FFFFFFF  }
0xc3: {  	(tm) =	ssettm $0x7FFFFFFF  }
tec
execute0_lowered:
.L_overlay_start_1:
0x0: {  	(tag) =	ssettag $0x1  }
0x1: {  	s6 =	rddreg [dreg:$0x0]  }
0x2: {  	s2 =	rddreg [dreg:$0x1];
	s1 =	srdreg.scid  }
0x3: {  	s0 =	stileid.u32;
	s3 =	rddreg [dreg:$0x2]  }
0x4: {  	s4 =	simm.s32 $0x0;
	s14 =	simm.s32 $0x4E20;
	s15 =	simm.s32 $0x7620  }
0x5: {  	s16 =	simm.s32 $0x3;
	s17 =	simm.s32 $0x9E20;
	s18 =	simm.s32 $0x4  }
0x6: {  	s19 =	simm.s32 $0x5;
	s20 =	simm.s32 $0x6;
	s21 =	simm.s32 $0x2  }
0x7: {  	s22 =	simm.s32 $0x1;
	s7 =	sand.u32 $0x1, s1;
	s1 =	rddreg [dreg:$0x3]  }
0x8: {  	s23 =	simm.s32 $0x0;
	s5 =	smul.u32 $0x278, s0;
	[smem:$0x7FF] =	sst s4  }
0x9: {  	s13 =	sshll.u32 s0, $0x6;
	s8 =	sshll.u32 s7, $0x4;
	s9 =	smul.u32 $0x138800, s7  }
0xa: {  	_ =	strace $0x8000004A;
	s7 =	ssub.s32 $0x2, s7;
	s8 =	sor.u32 s0, s8  }
0xb: {  	s5 =	smin.u32 s5, $0x2498;
	s31 =	sshrl.u32 s7, $0x1;
	s8 =	smul.u32 $0x2710, s8  }
0xc: {  	s10 =	sshll.u32 s5, $0x7;
	s5 =	sadd.s32 $0x16400, s6;
	s11 =	ssub.s32 s7, s31  }
.Ltmp0:
0xd: {  	s9 =	sadd.s32 s9, s10;
	s12 =	sadd.s32 s10, s3;
	(pc) =	sbr.rel .LBB2_1-.Ltmp0, $4  }
0xe: {  	s10 =	simm.s32 $0x7;
	s8 =	sshrl.u32 s8, $0x3;
	s9 =	sshrl.u32 s9, $0x3  }
0xf: {  	s12 =	sshrl.u32 s12, $0x3;
	s8 =	sadd.s32 s8, s6;
	s9 =	sadd.s32 s9, s6  }
0x10: {  	s6 =	sadd.s32 $0x2A00, s8;
	s7 =	sadd.s32 $0xC640, s8;
	s8 =	sadd.s32 $0x3D600, s9  }
0x11: {  	s9 =	smax.u32 s11, $0x1;
	s11 =	sor.u32 $0x1C07, s13;
	s13 =	simm.s32 $0x50  }
.LBB2_8:
0x12: {  	_ =	swait.ge [sflag:s18], $0x2800  }
0x13: {  	[sflag:s18] =	ssyncset.done $0x0  }
0x14: {  	[sflag:s18] =	ssyncadd.s32 $0xFFFFD800  }
0x15: {  	_ =	swait.ge [sflag:s19], $0x2800  }
0x16: {  	[sflag:s19] =	ssyncset.done $0x0  }
0x17: {  	[sflag:s19] =	ssyncadd.s32 $0xFFFFD800  }
0x18: {  	_ =	swait.ge [sflag:s20], $0x2800  }
0x19: {  	s23 =	sadd.s32 $0x1, s23;
	[sflag:s20] =	ssyncset.done $0x0  }
0x1a: {  	p0 =	sne.s32 s23, s9;
	[sflag:s20] =	ssyncadd.s32 $0xFFFFD800  }
.Ltmp1:
0x1b: {  	[bflag:$0x0] =	sbarrier.arrive $0xFFFF;
	(pc) =	sbr.rel @!p0 .LBB2_9-.Ltmp1, $4  }
0x1c: {  	[hbm:s8], [sflag:s11] =	dma.local [spmem:s12], $0x2780  }
0x1d: {  	_ =	swait.ge [sflag:s10], $0x2780  }
0x1e: {  	[sflag:s10] =	ssyncset.done $0x0  }
0x1f: {  	[sflag:s10] =	ssyncadd.s32 $0xFFFFD880  }
.LBB2_1:
0x20: {  	[tilespmem:s4], [sflag:$0x7] =	stream.linear.gather [hbm4b:s6+s4], $0x2710, $0x38;
	[tilespmem:$0x1FEA0] =	vst v63  }
0x21: {  	_ =	swait.ge [sflag:s10], $0x2710  }
0x22: {  	[sflag:s10] =	ssyncset.done $0x0  }
0x23: {  	s24 =	simm.s32 $0x2710;
	[sflag:s10] =	ssyncadd.s32 $0xFFFFD8F0  }
0x24: {  	[tilespmem:s24], [sflag:$0x7] =	stream.linear.gather [hbm4b:s7+s4], $0x2710, $0x38;
	[tilespmem:$0x1FEA0] =	vst v63  }
0x25: {  	_ =	swait.ge [sflag:s10], $0x2710  }
0x26: {  	[sflag:s10] =	ssyncset.done $0x0  }
0x27: {  	[sflag:s10] =	ssyncadd.s32 $0xFFFFD8F0  }
0x28: {  	[spmem:s12], [sflag:s11] =	dma.local [hbm:s2], $0x2780  }
0x29: {  	_ =	swait.ge [sflag:s10], $0x2780  }
0x2a: {  	[sflag:s10] =	ssyncset.done $0x0  }
.Ltmp2:
0x2b: {  	[sflag:s10] =	ssyncadd.s32 $0xFFFFD880;
	(pc) =	sbr.rel .LBB2_2-.Ltmp2, $4  }
0x2c: {  	[bflag:$0x0] =	sbarrier.arrive $0xFFFF  }
0x2d: {  	[tilespmem:s14], [sflag:$0x1] =	stream.indirect.gather [hbm4b:s5+s13], $0x80, s4, s13, $0xb8;
	[tilespmem:$0x1FEA0] =	vst v63  }
0x2e: {  	s25 =	simm.s32 $0xA0;
	s26 =	simm.s32 $0x0  }
0x2f: {  	[tilespmem:s15], [sflag:$0x2] =	stream.indirect.gather [hbm4b:s5+s13], $0x80, s13, s13, $0xb8;
	[tilespmem:$0x1FEA0] =	vst v63  }
.LBB2_6:
0x30: {  	_ =	swait.ge [sflag:s16], $0x2800  }
0x31: {  	p0 =	sgt.u32 s26, $0x7A;
	[sflag:s16] =	ssyncset.done $0x0  }
0x32: {  	s28 =	simm.s32 @!p0 $0x5;
	[sflag:s16] =	ssyncadd.s32 $0xFFFFD800  }
0x33: {  	_ =	swait.ge @!p0 [sflag:s28], $0x2800  }
0x34: {  	[sflag:s28] =	ssyncset.done @!p0 $0x0  }
0x35: {  	s29 =	simm.s32 @!p0 $0x7620;
	[sflag:s28] =	ssyncadd.s32 @!p0 $0xFFFFD800;
	s28 =	simm.s32 @!p0 $0x50  }
0x36: {  	[tilespmem:s29], [sflag:$0x2] =	stream.indirect.gather @!p0 [hbm4b:s5+s28], $0x80, s25, s28, $0xb8;
	[tilespmem:$0x1FEA0] =	vst v63  }
0x37: {  	_ = 	snop  }
0x38: {  	[spmem:s3] =	stream.indirect.scatter.add.f32 [tilespmem:s17], [sflag:$0x6], $0x80, s24, s13, $0xb8;
	[tilespmem:$0x1FEA0] =	vst v63  }
.LBB2_7:
0x39: {  	s26 =	sadd.s32 $0x1, s26  }
0x3a: {  	p0 =	sne.s32 s26, $0x7D  }
.Ltmp3:
0x3b: {  	_ = 	snop;
	(pc) =	sbr.rel @!p0 .LBB2_8-.Ltmp3, $2  }
0x3c: {  	_ =	sdelay $0x2  }
0x3d: {  	s24 =	sadd.s32 $0x50, s24;
	s25 =	sadd.s32 $0x50, s25  }
.LBB2_2:
0x3e: {  	s28 =	smul.u32 $0xAB, s26;
	_ =	sdelay $0x1  }
0x3f: {  	s28 =	sshrl.u32 s28, $0x9  }
0x40: {  	s28 =	sand.u32 $0x7F, s28  }
0x41: {  	s28 =	smul.u32 $0x3, s28;
	_ =	sdelay $0x1  }
0x42: {  	s28 =	ssub.s32 s26, s28  }
0x43: {  	s28 =	sand.u32 $0xFF, s28  }
0x44: {  	p0 =	seq.s32 s28, $0x2  }
.Ltmp4:
0x45: {  	_ = 	snop;
	(pc) =	sbr.rel @p0 .LBB2_6-.Ltmp4, $1  }
0x46: {  	_ =	sdelay $0x3  }
0x47: {  	p0 =	seq.s32 s28, $0x1  }
.Ltmp5:
0x48: {  	_ = 	snop;
	(pc) =	sbr.rel @!p0 .LBB2_4-.Ltmp5, $1  }
0x49: {  	_ =	sdelay $0x3  }
0x4a: {  	_ =	swait.ge [sflag:s21], $0x2800  }
0x4b: {  	p0 =	sgt.u32 s26, $0x7A;
	[sflag:s21] =	ssyncset.done $0x0  }
0x4c: {  	s28 =	simm.s32 @!p0 $0x4;
	[sflag:s21] =	ssyncadd.s32 $0xFFFFD800  }
0x4d: {  	_ =	swait.ge @!p0 [sflag:s28], $0x2800  }
.Ltmp6:
0x4e: {  	[sflag:s28] =	ssyncset.done @!p0 $0x0;
	(pc) =	sbr.rel .LBB2_7-.Ltmp6, $4  }
0x4f: {  	s29 =	simm.s32 @!p0 $0x4E20;
	[sflag:s28] =	ssyncadd.s32 @!p0 $0xFFFFD800;
	s28 =	simm.s32 @!p0 $0x50  }
0x50: {  	[tilespmem:s29], [sflag:$0x1] =	stream.indirect.gather @!p0 [hbm4b:s5+s28], $0x80, s25, s28, $0xb8;
	[tilespmem:$0x1FEA0] =	vst v63  }
0x51: {  	_ = 	snop  }
0x52: {  	[spmem:s3] =	stream.indirect.scatter.add.f32 [tilespmem:s15], [sflag:$0x5], $0x80, s24, s13, $0xb8;
	[tilespmem:$0x1FEA0] =	vst v63  }
.LBB2_4:
0x53: {  	p0 =	sgt.u32 s26, $0x7A  }
0x54: {  	_ =	swait.ge [sflag:s22], $0x2800;
	p1 =	seq.s32 @!p0 s26, $0x0  }
0x55: {  	[sflag:s22] =	ssyncset.done $0x0;
	p1 =	por p1, p0  }
0x56: {  	[sflag:s22] =	ssyncadd.s32 $0xFFFFD800;
	s28 =	simm.s32 @!p1 $0x6  }
0x57: {  	_ =	swait.ge @!p1 [sflag:s28], $0x2800  }
.Ltmp7:
0x58: {  	[sflag:s28] =	ssyncset.done @!p1 $0x0;
	(pc) =	sbr.rel .LBB2_7-.Ltmp7, $4  }
0x59: {  	s29 =	simm.s32 @!p0 $0x9E20;
	[sflag:s28] =	ssyncadd.s32 @!p1 $0xFFFFD800;
	s28 =	simm.s32 @!p0 $0x50  }
0x5a: {  	[tilespmem:s29], [sflag:$0x3] =	stream.indirect.gather @!p0 [hbm4b:s5+s28], $0x80, s25, s28, $0xb8;
	[tilespmem:$0x1FEA0] =	vst v63  }
0x5b: {  	_ = 	snop  }
0x5c: {  	[spmem:s3] =	stream.indirect.scatter.add.f32 [tilespmem:s14], [sflag:$0x4], $0x80, s24, s13, $0xb8;
	[tilespmem:$0x1FEA0] =	vst v63  }
.LBB2_9:
0x5d: {  	_ =	sfence.sel $0x180000  }
0x5e: {  	[bflag:$0x0] =	sbarrier.arrive $0xFFFF  }
0x5f: {  	p0 =	sne.s32 s0, $0x0;
	_ =	strace $0x9000004A  }
0x60: {  	s0 =	sadd.s32 @!p0 $0x100000, s1;
	[bflag:$0x2] =	sbarrier.arrive $0xFFFF  }
0x61: {  	[sflag:s0] =	ssyncadd.tile.s32 @!p0 $0x1;
	_ =	shalt  }
.Lfunc_end2:
_tile_overlayer_lowered:
.L_overlay_start_2:
0x62: {  	(tag) =	ssettag $0x2  }
0x63: {  	s0 =	rddreg [dreg:$0x0];
	s2 =	stileid.u32  }
0x64: {  	s1 =	rddreg [dreg:$0x1];
	p0 =	sne.s32 s2, $0x0  }
0x65: {  	s3 =	rddreg [dreg:$0x2];
	[bflag:$0x3] =	sbarrier.arrive $0xFFFF;
	s2 =	simm.s32 @!p0 $0x1C07  }
0x66: {  	[timem:s3], [sflag:s2] =	dma.local @!p0 [hbm:s0], s1  }
0x67: {  	s0 =	simm.s32 @!p0 $0x7  }
0x68: {  	_ =	swait.ge @!p0 [sflag:s0], s1  }
0x69: {  	s1 =	ssub.s32 @!p0 $0x0, s1;
	[sflag:s0] =	ssyncset.done @!p0 $0x0  }
0x6a: {  	[sflag:s0] =	ssyncadd.s32 @!p0 s1  }
0x6b: {  	[bflag:$0x3] =	sbarrier.arrive $0xFFFF  }
0x6c: {  	_ =	shalt  }

// kernel: kernel.15.cloned.1.call-start
scs
__scs_entry_jumppad:
0x0: {  	(pc) =	sbr.rel $0x88, $3  }
0x1: {  	(tag) =	ssettag $0x0;
	lr =	simm.s32 $0x1  }
0x2: {  	[smem:$0x3F9B] =	sst lr;
	_ =	strace $0xD0000000  }
0x3: {  	_ = 	snop  }
0x4: {  	_ = 	snop  }
0x5: {  	_ = 	snop  }
0x6: {  	_ = 	snop  }
0x7: {  	_ = 	snop  }
__scs_overlays_trampoline_lowered:
0x8: {  	[smem:$0x3FAA] =	sst s0  }
0x9: {  	[smem:$0x3FAB] =	sst s1  }
0xa: {  	[smem:$0x3FAC] =	sst s2  }
0xb: {  	[smem:$0x3FAD] =	sst s3  }
0xc: {  	[smem:$0x3FAE] =	sst s4  }
0xd: {  	[smem:$0x3FAF] =	sst s5  }
0xe: {  	[smem:$0x3FB0] =	sst s6  }
0xf: {  	[smem:$0x3FB1] =	sst s7  }
0x10: {  	[smem:$0x3FB2] =	sst s8  }
0x11: {  	[smem:$0x3FB3] =	sst s9;
	s0 =	simm.s32 @!p0 $0x0  }
0x12: {  	s1 =	sld [smem:$0x3F99];
	s0 =	simm.s32 @p0 $0x1  }
0x13: {  	[smem:$0x3FB4] =	sst s0;
	s0 =	simm.s32 @!p1 $0x0  }
0x14: {  	s2 =	sld [smem:$0x3F98];
	s0 =	simm.s32 @p1 $0x1  }
0x15: {  	[smem:$0x3FB5] =	sst s0;
	s0 =	simm.s32 @!p2 $0x0  }
0x16: {  	s3 =	sld [smem:$0x3FDB];
	s0 =	simm.s32 @p2 $0x1  }
0x17: {  	s4 =	simm.s32 $0x1BF5;
	[smem:$0x3FB7] =	sst s0  }
0x18: {  	s0 =	sld [smem:$0x3F9A];
	_ =	swait.ge [sflag:s4], $0x0  }
0x19: {  	s7 =	sld [smem:$0x3F9B]  }
0x1a: {  	s8 =	sadd.s32 $0xFFFFE003, lr  }
0x1b: {  	s9 =	sadd.s32 $0xFFFFFEF7, lr;
	s5 =	simm.s32 $0xFFFFFFFF;
	p2 =	slt.u32 s8, $0xFFFFF086  }
0x1c: {  	p1 =	slt.u32 s9, $0xF7A;
	s5 =	simm.s32 @!p2 $0x0  }
0x1d: {  	s5 =	simm.s32 @p1 $0x1;
	p0 =	seq.s32 s7, s2  }
0x1e: {  	s7 =	smul.u32 @!p0 $0xF7A, s2;
	p2 =	seq.s32 @!p0 s5, $0x0  }
0x1f: {  	s9 =	smul.u32 $0xF7A, s1;
	s8 =	simm.s32 @!p0 $0x1BF5;
	p2 =	por !p2, p0  }
0x20: {  	[sflag:s8] =	ssyncset.s32 @!p0 $0xFFFFF086;
	s6 =	sadd.s32 @!p0 s3, s7;
	s7 =	simm.s32 @!p0 $0x108  }
0x21: {  	s3 =	sadd.s32 s3, s9;
	s6 =	sadd.s32 @!p0 $0x88, s6;
	s7 =	simm.s32 @p2 $0x1082  }
0x22: {  	[simem:s7], [sflag:s8] =	dma.local @!p0 [hbm:s6], $0xF7A  }
0x23: {  	s9 =	sor.u32 $0xD0000000, s2;
	s6 =	simm.s32 $0x108;
	_ =	swait.ge @!p0 [sflag:s8], $0x0  }
0x24: {  	s3 =	sadd.s32 $0x88, s3;
	s6 =	simm.s32 @!p1 $0x1082;
	[sflag:s4] =	ssyncset.s32 $0xFFFFF086  }
0x25: {  	[simem:s6], [sflag:s4] =	dma.local [hbm:s3], $0xF7A  }
0x26: {  	[smem:$0x3F9B] =	sst s1;
	(tag) =	ssettag s2;
	_ =	strace s9  }
0x27: {  	s1 =	sld [smem:$0x3FAB]  }
0x28: {  	s2 =	sld [smem:$0x3FAC]  }
0x29: {  	s4 =	sld [smem:$0x3FAE]  }
0x2a: {  	p0 =	seq.s32 s5, $0x0;
	s5 =	sld [smem:$0x3FAF]  }
0x2b: {  	s6 =	sld [smem:$0x3FB0]  }
0x2c: {  	s7 =	sld [smem:$0x3FB1]  }
0x2d: {  	s3 =	simm.s32 $0x108;
	s8 =	sld [smem:$0x3FB2]  }
0x2e: {  	s3 =	simm.s32 @!p0 $0x1082;
	s9 =	sld [smem:$0x3FB3]  }
0x2f: {  	lr =	sadd.s32 s0, s3;
	s0 =	sld [smem:$0x3FAA]  }
0x30: {  	s3 =	sld [smem:$0x3FAD]  }
0x31: {  	[smem:$0x3FB6] =	sst s10  }
0x32: {  	s10 =	sld [smem:$0x3FB4];
	_ =	sdelay $0x3  }
0x33: {  	p0 =	seq.s32 s10, $0x1;
	s10 =	sld [smem:$0x3FB6];
	_ =	sdelay $0x3  }
0x34: {  	[smem:$0x3FB6] =	sst s10  }
0x35: {  	s10 =	sld [smem:$0x3FB5];
	_ =	sdelay $0x3  }
0x36: {  	p1 =	seq.s32 s10, $0x1;
	s10 =	sld [smem:$0x3FB6];
	_ =	sdelay $0x3  }
0x37: {  	[smem:$0x3FB6] =	sst s10  }
0x38: {  	s10 =	sld [smem:$0x3FB7]  }
0x39: {  	_ = 	snop;
	(pc) =	sbr.ind lr, $3  }
0x3a: {  	_ = 	snop  }
0x3b: {  	_ = 	snop  }
0x3c: {  	p2 =	seq.s32 s10, $0x1;
	s10 =	sld [smem:$0x3FB6]  }
0x3d: {  	_ =	shalt  }
0x3e: {  	_ =	shalt  }
0x3f: {  	_ =	shalt  }
0x40: {  	_ =	shalt  }
0x41: {  	_ =	shalt  }
0x42: {  	_ =	shalt  }
0x43: {  	_ =	shalt  }
0x44: {  	_ =	shalt  }
0x45: {  	_ =	shalt  }
0x46: {  	_ =	shalt  }
0x47: {  	_ =	shalt  }
0x48: {  	_ =	shalt  }
0x49: {  	_ =	shalt  }
0x4a: {  	_ =	shalt  }
0x4b: {  	_ =	shalt  }
0x4c: {  	_ =	shalt  }
0x4d: {  	_ =	shalt  }
0x4e: {  	_ =	shalt  }
0x4f: {  	_ =	shalt  }
0x50: {  	_ =	shalt  }
0x51: {  	_ =	shalt  }
0x52: {  	_ =	shalt  }
0x53: {  	_ =	shalt  }
0x54: {  	_ =	shalt  }
0x55: {  	_ =	shalt  }
0x56: {  	_ =	shalt  }
0x57: {  	_ =	shalt  }
0x58: {  	_ =	shalt  }
0x59: {  	_ =	shalt  }
0x5a: {  	_ =	shalt  }
0x5b: {  	_ =	shalt  }
0x5c: {  	_ =	shalt  }
0x5d: {  	_ =	shalt  }
0x5e: {  	_ =	shalt  }
0x5f: {  	_ =	shalt  }
0x60: {  	_ =	shalt  }
0x61: {  	_ =	shalt  }
0x62: {  	_ =	shalt  }
0x63: {  	_ =	shalt  }
0x64: {  	_ =	shalt  }
0x65: {  	_ =	shalt  }
0x66: {  	_ =	shalt  }
0x67: {  	_ =	shalt  }
0x68: {  	_ =	shalt  }
0x69: {  	_ =	shalt  }
0x6a: {  	_ =	shalt  }
0x6b: {  	_ =	shalt  }
0x6c: {  	_ =	shalt  }
0x6d: {  	_ =	shalt  }
0x6e: {  	_ =	shalt  }
0x6f: {  	_ =	shalt  }
0x70: {  	_ =	shalt  }
0x71: {  	_ =	shalt  }
0x72: {  	_ =	shalt  }
0x73: {  	_ =	shalt  }
0x74: {  	_ =	shalt  }
0x75: {  	_ =	shalt  }
0x76: {  	_ =	shalt  }
0x77: {  	_ =	shalt  }
0x78: {  	_ =	shalt  }
0x79: {  	_ =	shalt  }
0x7a: {  	_ =	shalt  }
0x7b: {  	_ =	shalt  }
0x7c: {  	_ =	shalt  }
0x7d: {  	_ =	shalt  }
0x7e: {  	_ =	shalt  }
0x7f: {  	_ =	shalt  }
0x80: {  	_ =	shalt  }
0x81: {  	_ =	shalt  }
0x82: {  	_ =	shalt  }
0x83: {  	_ =	shalt  }
0x84: {  	_ =	shalt  }
0x85: {  	_ =	shalt  }
0x86: {  	_ =	shalt  }
0x87: {  	_ =	shalt  }
.Lfunc_end0:
.L_simem_size_0:
called_computation.2_lowered:
.L_overlay_start_0:
0x88: {  	s2 =	sld [smem:$0x3FD9]  }
0x89: {  	s3 =	sld [smem:$0x3FFE];
	_ =	sdelay $0x1  }
0x8a: {  	s1 =	srdreg.scid  }
0x8b: {  	s0 =	sand.u32 $0x1, s1  }
0x8c: {  	s17 =	sshll.u32 s0, $0xA;
	s2 =	sadd.s32 s3, s2  }
0x8d: {  	s2 =	sadd.s32 s2, s17  }
0x8e: {  	[smem:$0x3FC2] =	sst s2  }
0x8f: {  	_ = 	snop  }
0x90: {  	s2 =	sld [smem:$0x3FD0];
	(tm) =	ssettm $0x1  }
0x91: {  	s18 =	sld [smem:$0x3FFB];
	_ =	sdelay $0x3  }
0x92: {  	_ =	strace s18  }
0x93: {  	s3 =	sld [smem:$0x3FFC];
	_ =	sdelay $0x3  }
0x94: {  	_ =	strace s3  }
0x95: {  	s3 =	sld [smem:$0x3FFD];
	_ =	sdelay $0x3  }
0x96: {  	_ =	strace s3  }
0x97: {  	_ =	strace $0x8FFFFFFF  }
0x98: {  	s19 =	sld [smem:$0x3FDB];
	_ =	sdelay $0x1  }
0x99: {  	s4 =	simm.s32 $_scs_section_size  }
0x9a: {  	s5 =	simm.s32 $_size__tile_overlayer_lowered;
	s6 =	simm.s32 $_tile_overlayer_lowered  }
0x9b: {  	s22 =	simm.s32 $0x1BFF;
	s21 =	sshll.u32 s6, $0x1;
	s3 =	sadd.s32 s4, s19  }
0x9c: {  	s7 =	simm.s32 $0x0;
	s20 =	sshll.u32 s5, $0x1;
	s5 =	sadd.s32 s21, s3  }
0x9d: {  	[timem:s7], [sflag:s22] =	dma.local [hbm:s5], s20  }
0x9e: {  	_ =	swait.ge [sflag:s22], s20  }
0x9f: {  	s4 =	ssub.s32 $0x0, s20;
	[sflag:s22] =	ssyncset.done $0x0  }
0xa0: {  	[sflag:s22] =	ssyncadd.s32 s4;
	_ =	sdelay $0x1  }
0xa1: {  	s23 =	simm.s32 $0x1B8B  }
0xa2: {  	_ =	swait.ge [sflag:s23], $0x1  }
0xa3: {  	[sflag:s23] =	ssyncset.done $0x0  }
0xa4: {  	s25 =	simm.s32 $0x1B8E;
	s24 =	sld [smem:$0x3FFE];
	[sflag:s23] =	ssyncadd.s32 $0xFFFFFFFF  }
0xa5: {  	s26 =	simm.s32 $execute0_lowered;
	[smem:$0x3FD2] =	sst s25  }
0xa6: {  	s5 =	sshll.u32 s26, $0x1;
	_ =	strace $0x8000004C;
	[dreg:$0x1] =	wrdreg $0xFFFFFFFF  }
0xa7: {  	s28 =	simm.s32 $_size_execute0_lowered;
	s3 =	sadd.s32 s3, s5;
	[dreg:$0x0] =	wrdreg $0x0  }
0xa8: {  	s5 =	sshll.u32 s28, $0x1;
	[dreg:$0x2] =	wrdreg s3  }
0xa9: {  	[dreg:$0x3] =	wrdreg s5  }
0xaa: {  	[dreg:$0x4] =	wrdreg $0xC0  }
0xab: {  	_ =	task [dreg:s7], $0x5FFFF  }
0xac: {  	[dreg:$0x1] =	wrdreg $0xFFFFFFFF  }
0xad: {  	[dreg:$0x0] =	wrdreg $0x60  }
0xae: {  	[dreg:$0x2] =	wrdreg s2  }
0xaf: {  	[dreg:$0x3] =	wrdreg s24  }
0xb0: {  	[dreg:$0x4] =	wrdreg $0xC7000  }
0xb1: {  	[dreg:$0x5] =	wrdreg $0x9  }
0xb2: {  	_ =	task.clear_ibuf [dreg:s7], $0x6FFFF;
	_ =	strace $0x9000004C  }
0xb3: {  	s29 =	simm.s32 $0x9;
	_ =	strace $0x8000004E  }
0xb4: {  	_ =	swait.ge [sflag:s29], $0x1  }
0xb5: {  	[sflag:s29] =	ssyncadd.s32 $0xFFFFFFFF  }
0xb6: {  	_ =	strace $0x9000004E  }
0xb7: {  	_ =	sfence  }
0xb8: {  	s30 =	sld [smem:$0x0];
	_ =	sdelay $0x2  }
0xb9: {  	s31 =	sshll.u32 s1, $0xD;
	s1 =	sshrl.u32 s1, $0x2  }
0xba: {  	s3 =	sand.u32 $0x4000, s31;
	s1 =	sadd.s32 s1, s30  }
0xbb: {  	s0 =	sor.u32 s3, s0;
	s1 =	sshll.u32 s1, $0x11  }
0xbc: {  	s0 =	sor.u32 s1, s0  }
0xbd: {  	s0 =	sadd.s32 $0x8F2B, s0  }
0xbe: {  	[sflag:s0] =	ssyncadd.remote.s32 $0x1  }
0xbf: {  	_ =	sfence.sel $0xFFFF  }
0xc0: {  	[dreg:$0x0] =	wrdreg $0xFFFFFFFF;
	(pc) =	sbr.abs _section_cstart, $3  }
0xc1: {  	[dreg:$0x1] =	wrdreg $0xFFFFFFFF  }
0xc2: {  	_ =	task.clear_ibuf [dreg:s7], $0x2FFFF;
	_ =	strace $0x9FFFFFFF  }
0xc3: {  	(tm) =	ssettm $0x7FFFFFFF  }
tec
execute0_lowered:
.L_overlay_start_1:
0x0: {  	(tag) =	ssettag $0x1  }
0x1: {  	s0 =	srdreg.scid;
	s1 =	rddreg [dreg:$0x0]  }
0x2: {  	s11 =	stileid.u32;
	s6 =	rddreg [dreg:$0x1]  }
0x3: {  	s3 =	rddreg [dreg:$0x2];
	s13 =	simm.s32 $0x80;
	s16 =	simm.s32 $0x100  }
0x4: {  	s17 =	simm.s32 $0x7700;
	s18 =	simm.s32 $0x180;
	s19 =	simm.s32 $0x8B00  }
0x5: {  	s20 =	simm.s32 $0x200;
	s21 =	simm.s32 $0x9F00;
	s22 =	simm.s32 $0x7  }
0x6: {  	s23 =	simm.s32 $0x8;
	s24 =	simm.s32 $0x9;
	s25 =	simm.s32 $0xA  }
0x7: {  	s28 =	simm.s32 $0xC;
	s29 =	simm.s32 $0x0;
	s0 =	sand.u32 $0x1, s0  }
0x8: {  	s4 =	smul.u32 $0x280, s11;
	s31 =	sshll.u32 s11, $0x6;
	s2 =	sshll.u32 s0, $0x4  }
0x9: {  	s26 =	smul.u32 $0x62E80, s0;
	s0 =	ssub.s32 $0x2, s0;
	s2 =	sor.u32 s11, s2  }
0xa: {  	s5 =	smin.u32 s4, $0x2510;
	s4 =	simm.s32 $0x0;
	s2 =	smul.u32 $0x2780, s2  }
0xb: {  	s9 =	sshrl.u32 s0, $0x1;
	s11 =	sor.u32 $0x1C0D, s31;
	s8 =	smul.u32 $0x28, s5  }
0xc: {  	[smem:$0x7FF] =	sst s4;
	s5 =	sadd.s32 $0x2A00, s6;
	s0 =	ssub.s32 s0, s9  }
.Ltmp0:
0xd: {  	_ =	strace $0x8000004D;
	s9 =	smax.u32 s0, $0x1;
	(pc) =	sbr.rel .LBB2_1-.Ltmp0, $4  }
0xe: {  	s2 =	sshrl.u32 s2, $0x3;
	s7 =	sadd.s32 s26, s8;
	s30 =	sadd.s32 s8, s3  }
0xf: {  	s26 =	simm.s32 $0xB;
	s2 =	sadd.s32 s2, s6;
	s7 =	sshrl.u32 s7, $0x3  }
0x10: {  	s12 =	sshrl.u32 s30, $0x3;
	s10 =	sadd.s32 s7, s6;
	s6 =	sadd.s32 $0x8B800, s2  }
0x11: {  	s7 =	sadd.s32 $0x95600, s2;
	s8 =	sadd.s32 $0x3800, s10;
	s10 =	simm.s32 $0xD  }
.LBB2_6:
0x12: {  	_ =	swait.ge [sflag:s22], $0x1400  }
0x13: {  	[sflag:s22] =	ssyncset.done $0x0  }
0x14: {  	[sflag:s22] =	ssyncadd.s32 $0xFFFFEC00  }
0x15: {  	_ =	swait.ge [sflag:s23], $0x1400  }
0x16: {  	[sflag:s23] =	ssyncset.done $0x0  }
0x17: {  	[sflag:s23] =	ssyncadd.s32 $0xFFFFEC00  }
0x18: {  	_ =	swait.ge [sflag:s24], $0x1400  }
0x19: {  	[sflag:s24] =	ssyncset.done $0x0  }
0x1a: {  	[sflag:s24] =	ssyncadd.s32 $0xFFFFEC00  }
0x1b: {  	_ =	swait.ge [sflag:s25], $0x1400  }
0x1c: {  	[sflag:s25] =	ssyncset.done $0x0  }
0x1d: {  	[sflag:s25] =	ssyncadd.s32 $0xFFFFEC00  }
0x1e: {  	_ =	swait.ge [sflag:s26], $0x1400  }
0x1f: {  	[sflag:s26] =	ssyncset.done $0x0  }
0x20: {  	[sflag:s26] =	ssyncadd.s32 $0xFFFFEC00  }
0x21: {  	_ =	swait.ge [sflag:s28], $0x1400  }
0x22: {  	s29 =	sadd.s32 $0x1, s29;
	[sflag:s28] =	ssyncset.done $0x0  }
0x23: {  	p0 =	sne.s32 s29, s9;
	[sflag:s28] =	ssyncadd.s32 $0xFFFFEC00  }
.Ltmp1:
0x24: {  	[bflag:$0x0] =	sbarrier.arrive $0xFFFF;
	(pc) =	sbr.rel @!p0 .LBB2_7-.Ltmp1, $4  }
0x25: {  	[hbm:s8], [sflag:s11] =	dma.local [spmem:s12], $0xC80  }
0x26: {  	_ =	swait.ge [sflag:s10], $0xC80  }
0x27: {  	[sflag:s10] =	ssyncset.done $0x0  }
0x28: {  	[sflag:s10] =	ssyncadd.s32 $0xFFFFF380  }
.LBB2_1:
0x29: {  	[tilespmem:s4], [sflag:$0xD] =	stream.linear.gather [hbm4b:s6+s4], $0x2780, $0x38;
	[tilespmem:$0x129E8] =	vst v63  }
0x2a: {  	_ =	swait.ge [sflag:s10], $0x2780  }
0x2b: {  	[sflag:s10] =	ssyncset.done $0x0  }
0x2c: {  	s30 =	simm.s32 $0x2780;
	[sflag:s10] =	ssyncadd.s32 $0xFFFFD880  }
0x2d: {  	[tilespmem:s30], [sflag:$0xD] =	stream.linear.gather [hbm4b:s7+s4], $0x2780, $0x38;
	[tilespmem:$0x129E8] =	vst v63  }
0x2e: {  	_ =	swait.ge [sflag:s10], $0x2780  }
0x2f: {  	[sflag:s10] =	ssyncset.done $0x0  }
0x30: {  	[sflag:s10] =	ssyncadd.s32 $0xFFFFD880  }
0x31: {  	[spmem:s12], [sflag:s11] =	dma.local [hbm:s5], $0xC80  }
0x32: {  	_ =	swait.ge [sflag:s10], $0xC80  }
0x33: {  	[sflag:s10] =	ssyncset.done $0x0  }
0x34: {  	[sflag:s10] =	ssyncadd.s32 $0xFFFFF380  }
0x35: {  	s0 =	simm.s32 $0x4F00;
	[bflag:$0x0] =	sbarrier.arrive $0xFFFF  }
0x36: {  	[tilespmem:s0], [sflag:$0x1] =	stream.indirect.gather [hbm4b:s1+s13], $0x28, s4, s13, $0xb8;
	[tilespmem:$0x129E8] =	vst v63  }
0x37: {  	s15 =	simm.s32 $0x6300  }
0x38: {  	[tilespmem:s15], [sflag:$0x2] =	stream.indirect.gather [hbm4b:s1+s13], $0x28, s13, s13, $0xb8;
	[tilespmem:$0x129E8] =	vst v63  }
0x39: {  	_ = 	snop  }
0x3a: {  	[tilespmem:s17], [sflag:$0x3] =	stream.indirect.gather [hbm4b:s1+s13], $0x28, s16, s13, $0xb8;
	[tilespmem:$0x129E8] =	vst v63  }
.Ltmp2:
0x3b: {  	_ = 	snop;
	(pc) =	sbr.rel .LBB2_2-.Ltmp2, $4  }
0x3c: {  	_ = 	snop  }
0x3d: {  	[tilespmem:s19], [sflag:$0x4] =	stream.indirect.gather [hbm4b:s1+s13], $0x28, s18, s13, $0xb8;
	[tilespmem:$0x129E8] =	vst v63  }
0x3e: {  	s31 =	simm.s32 $0x280;
	s2 =	simm.s32 $0x0  }
0x3f: {  	[tilespmem:s21], [sflag:$0x5] =	stream.indirect.gather [hbm4b:s1+s13], $0x28, s20, s13, $0xb8;
	[tilespmem:$0x129E8] =	vst v63  }
.LBB2_4:
0x40: {  	p0 =	seq.s32 s0, $0x3  }
0x41: {  	s14 =	simm.s32 @p0 $0x4  }
0x42: {  	p1 =	slt.u32 @p0 s2, $0x4A;
	_ =	swait.ge @p0 [sflag:s14], $0x1400  }
0x43: {  	p2 =	por !p1, !p0;
	[sflag:s14] =	ssyncset.done @p0 $0x0  }
0x44: {  	[sflag:s14] =	ssyncadd.s32 @p0 $0xFFFFEC00;
	s14 =	simm.s32 @!p2 $0x9  }
0x45: {  	_ =	swait.ge @!p2 [sflag:s14], $0x1400  }
0x46: {  	[sflag:s14] =	ssyncset.done @!p2 $0x0  }
0x47: {  	s15 =	simm.s32 @!p2 $0x7700;
	[sflag:s14] =	ssyncadd.s32 @!p2 $0xFFFFEC00;
	s14 =	simm.s32 @!p2 $0x80  }
0x48: {  	[tilespmem:s15], [sflag:$0x3] =	stream.indirect.gather @!p2 [hbm4b:s1+s14], $0x28, s31, s14, $0xb8;
	[tilespmem:$0x129E8] =	vst v63  }
0x49: {  	p1 =	por p1, !p0;
	s15 =	simm.s32 @!p2 $0x8B00  }
0x4a: {  	[spmem:s3] =	stream.indirect.scatter.add.f32 @!p2 [tilespmem:s15], [sflag:$0xA], $0x28, s30, s14, $0xb8;
	[tilespmem:$0x129E8] =	vst v63  }
0x4b: {  	s14 =	simm.s32 @!p1 $0x80;
	s15 =	simm.s32 @!p1 $0x8B00  }
0x4c: {  	[spmem:s3] =	stream.indirect.scatter.add.f32 @!p1 [tilespmem:s15], [sflag:$0xA], $0x28, s30, s14, $0xb8;
	[tilespmem:$0x129E8] =	vst v63  }
0x4d: {  	p1 =	seq.s32 @!p0 s0, $0x4  }
0x4e: {  	p2 =	por !p1, p0  }
0x4f: {  	p3 =	sgt.u32 @!p2 s2, $0x49;
	s0 =	simm.s32 @!p2 $0x5  }
0x50: {  	_ =	swait.ge @!p2 [sflag:s0], $0x1400;
	p3 =	por @!p0 p3, !p1  }
0x51: {  	[sflag:s0] =	ssyncset.done @!p2 $0x0;
	p3 =	por p3, p0  }
0x52: {  	[sflag:s0] =	ssyncadd.s32 @!p2 $0xFFFFEC00;
	s0 =	simm.s32 @!p3 $0xA  }
0x53: {  	_ =	swait.ge @!p3 [sflag:s0], $0x1400  }
0x54: {  	[sflag:s0] =	ssyncset.done @!p3 $0x0  }
0x55: {  	s14 =	simm.s32 @!p3 $0x8B00;
	[sflag:s0] =	ssyncadd.s32 @!p3 $0xFFFFEC00;
	s0 =	simm.s32 @!p3 $0x80  }
0x56: {  	[tilespmem:s14], [sflag:$0x4] =	stream.indirect.gather @!p3 [hbm4b:s1+s0], $0x28, s31, s0, $0xb8;
	[tilespmem:$0x129E8] =	vst v63  }
0x57: {  	s0 =	simm.s32 @!p2 $0x80;
	s14 =	simm.s32 @!p2 $0x9F00  }
0x58: {  	[spmem:s3] =	stream.indirect.scatter.add.f32 @!p2 [tilespmem:s14], [sflag:$0xB], $0x28, s30, s0, $0xb8;
	[tilespmem:$0x129E8] =	vst v63  }
0x59: {  	p2 =	por p1, p0  }
0x5a: {  	p3 =	sgt.u32 @!p2 s2, $0x49;
	s0 =	simm.s32 @!p2 $0x6  }
0x5b: {  	_ =	swait.ge @!p2 [sflag:s0], $0x1400;
	p1 =	por @!p0 p3, p1  }
0x5c: {  	[sflag:s0] =	ssyncset.done @!p2 $0x0;
	p0 =	por p1, p0  }
0x5d: {  	[sflag:s0] =	ssyncadd.s32 @!p2 $0xFFFFEC00;
	s0 =	simm.s32 @!p0 $0xB  }
0x5e: {  	_ =	swait.ge @!p0 [sflag:s0], $0x1400  }
0x5f: {  	[sflag:s0] =	ssyncset.done @!p0 $0x0  }
0x60: {  	s14 =	simm.s32 @!p0 $0x9F00;
	[sflag:s0] =	ssyncadd.s32 @!p0 $0xFFFFEC00;
	s0 =	simm.s32 @!p0 $0x80  }
0x61: {  	[tilespmem:s14], [sflag:$0x5] =	stream.indirect.gather @!p0 [hbm4b:s1+s0], $0x28, s31, s0, $0xb8;
	[tilespmem:$0x129E8] =	vst v63  }
0x62: {  	s0 =	simm.s32 @!p2 $0x80;
	s14 =	simm.s32 @!p2 $0xB300  }
0x63: {  	[spmem:s3] =	stream.indirect.scatter.add.f32 @!p2 [tilespmem:s14], [sflag:$0xC], $0x28, s30, s0, $0xb8;
	[tilespmem:$0x129E8] =	vst v63  }
.LBB2_5:
0x64: {  	s2 =	sadd.s32 $0x1, s2  }
0x65: {  	p0 =	sne.s32 s2, $0x4F  }
.Ltmp3:
0x66: {  	_ = 	snop;
	(pc) =	sbr.rel @!p0 .LBB2_6-.Ltmp3, $2  }
0x67: {  	_ =	sdelay $0x2  }
0x68: {  	s30 =	sadd.s32 $0x80, s30;
	s31 =	sadd.s32 $0x80, s31  }
.LBB2_2:
0x69: {  	s0 =	smul.u32 $0xAB, s2;
	_ =	sdelay $0x1  }
0x6a: {  	s0 =	sshrl.u32 s0, $0xA  }
0x6b: {  	s0 =	sand.u32 $0x3F, s0  }
0x6c: {  	s0 =	smul.u32 $0x6, s0;
	_ =	sdelay $0x1  }
0x6d: {  	s0 =	ssub.s32 s2, s0  }
0x6e: {  	s0 =	sand.u32 $0xFF, s0  }
0x6f: {  	p0 =	sgt.s32 s0, $0x2  }
.Ltmp4:
0x70: {  	_ = 	snop;
	(pc) =	sbr.rel @p0 .LBB2_4-.Ltmp4, $1  }
0x71: {  	_ =	sdelay $0x3  }
0x72: {  	p0 =	seq.s32 s0, $0x0  }
0x73: {  	p1 =	sgt.u32 @p0 s2, $0x49  }
0x74: {  	p2 =	por p1, !p0  }
0x75: {  	s14 =	simm.s32 @p0 $0x1;
	p3 =	seq.s32 @!p2 s2, $0x0  }
0x76: {  	_ =	swait.ge @p0 [sflag:s14], $0x1400;
	p1 =	por @p0 p3, p1  }
0x77: {  	[sflag:s14] =	ssyncset.done @p0 $0x0;
	p1 =	por p1, !p0  }
0x78: {  	[sflag:s14] =	ssyncadd.s32 @p0 $0xFFFFEC00;
	s14 =	simm.s32 @!p1 $0xC  }
0x79: {  	_ =	swait.ge @!p1 [sflag:s14], $0x1400  }
0x7a: {  	s15 =	simm.s32 @!p2 $0xB300;
	[sflag:s14] =	ssyncset.done @!p1 $0x0  }
0x7b: {  	[sflag:s14] =	ssyncadd.s32 @!p1 $0xFFFFEC00;
	s14 =	simm.s32 @!p2 $0x80;
	p1 =	seq.s32 @!p0 s0, $0x1  }
0x7c: {  	[tilespmem:s15], [sflag:$0x6] =	stream.indirect.gather @!p2 [hbm4b:s1+s14], $0x28, s31, s14, $0xb8;
	[tilespmem:$0x129E8] =	vst v63  }
0x7d: {  	s14 =	simm.s32 @p0 $0x80;
	p3 =	por !p1, p0  }
0x7e: {  	s15 =	simm.s32 @p0 $0x4F00;
	p2 =	slt.u32 @!p3 s2, $0x4A;
	s0 =	simm.s32 @!p3 $0x2  }
0x7f: {  	[spmem:s3] =	stream.indirect.scatter.add.f32 @p0 [tilespmem:s15], [sflag:$0x7], $0x28, s30, s14, $0xb8;
	[tilespmem:$0x129E8] =	vst v63  }
0x80: {  	p4 =	por @!p0 !p2, !p1;
	_ =	swait.ge @!p3 [sflag:s0], $0x1400  }
0x81: {  	p4 =	por p4, p0;
	[sflag:s0] =	ssyncset.done @!p3 $0x0  }
0x82: {  	[sflag:s0] =	ssyncadd.s32 @!p3 $0xFFFFEC00;
	s0 =	simm.s32 @!p4 $0x7  }
0x83: {  	_ =	swait.ge @!p4 [sflag:s0], $0x1400  }
0x84: {  	p2 =	por @!p0 p2, !p1;
	[sflag:s0] =	ssyncset.done @!p4 $0x0  }
0x85: {  	s14 =	simm.s32 @!p4 $0x4F00;
	[sflag:s0] =	ssyncadd.s32 @!p4 $0xFFFFEC00;
	s0 =	simm.s32 @!p4 $0x80  }
0x86: {  	[tilespmem:s14], [sflag:$0x1] =	stream.indirect.gather @!p4 [hbm4b:s1+s0], $0x28, s31, s0, $0xb8;
	[tilespmem:$0x129E8] =	vst v63  }
0x87: {  	p2 =	por p2, p0;
	s14 =	simm.s32 @!p4 $0x6300  }
0x88: {  	[spmem:s3] =	stream.indirect.scatter.add.f32 @!p4 [tilespmem:s14], [sflag:$0x8], $0x28, s30, s0, $0xb8;
	[tilespmem:$0x129E8] =	vst v63  }
0x89: {  	p3 =	por p1, p0;
	s0 =	simm.s32 @!p2 $0x80;
	s14 =	simm.s32 @!p2 $0x6300  }
0x8a: {  	[spmem:s3] =	stream.indirect.scatter.add.f32 @!p2 [tilespmem:s14], [sflag:$0x8], $0x28, s30, s0, $0xb8;
	[tilespmem:$0x129E8] =	vst v63  }
0x8b: {  	p2 =	slt.u32 @!p3 s2, $0x4A;
	s0 =	simm.s32 @!p3 $0x3  }
0x8c: {  	_ =	swait.ge @!p3 [sflag:s0], $0x1400;
	p4 =	por @!p0 !p2, p1  }
0x8d: {  	[sflag:s0] =	ssyncset.done @!p3 $0x0;
	p4 =	por p4, p0  }
0x8e: {  	[sflag:s0] =	ssyncadd.s32 @!p3 $0xFFFFEC00;
	s0 =	simm.s32 @!p4 $0x8  }
0x8f: {  	_ =	swait.ge @!p4 [sflag:s0], $0x1400  }
0x90: {  	[sflag:s0] =	ssyncset.done @!p4 $0x0  }
0x91: {  	s14 =	simm.s32 @!p4 $0x6300;
	[sflag:s0] =	ssyncadd.s32 @!p4 $0xFFFFEC00;
	s0 =	simm.s32 @!p4 $0x80  }
0x92: {  	[tilespmem:s14], [sflag:$0x2] =	stream.indirect.gather @!p4 [hbm4b:s1+s0], $0x28, s31, s0, $0xb8;
	[tilespmem:$0x129E8] =	vst v63  }
.Ltmp5:
0x93: {  	p1 =	por @!p0 p2, p1;
	(pc) =	sbr.rel .LBB2_5-.Ltmp5, $4  }
0x94: {  	p0 =	por p1, p0;
	s14 =	simm.s32 @!p4 $0x7700  }
0x95: {  	[spmem:s3] =	stream.indirect.scatter.add.f32 @!p4 [tilespmem:s14], [sflag:$0x9], $0x28, s30, s0, $0xb8;
	[tilespmem:$0x129E8] =	vst v63  }
0x96: {  	s0 =	simm.s32 @!p0 $0x80;
	s14 =	simm.s32 @!p0 $0x7700  }
0x97: {  	[spmem:s3] =	stream.indirect.scatter.add.f32 @!p0 [tilespmem:s14], [sflag:$0x9], $0x28, s30, s0, $0xb8;
	[tilespmem:$0x129E8] =	vst v63  }
.LBB2_7:
0x98: {  	_ =	sfence.sel $0x180000  }
0x99: {  	[bflag:$0x0] =	sbarrier.arrive $0xFFFF  }
0x9a: {  	_ =	strace $0x9000004D  }
0x9b: {  	s0 =	stileid.u32;
	[bflag:$0x2] =	sbarrier.arrive $0xFFFF  }
0x9c: {  	p0 =	sne.s32 s0, $0x0;
	s0 =	rddreg [dreg:$0x3]  }
0x9d: {  	s0 =	sadd.s32 @!p0 $0x100000, s0  }
0x9e: {  	[sflag:s0] =	ssyncadd.tile.s32 @!p0 $0x1;
	_ =	shalt  }
.Lfunc_end2:
_tile_overlayer_lowered:
.L_overlay_start_2:
0x9f: {  	(tag) =	ssettag $0x2  }
0xa0: {  	s0 =	rddreg [dreg:$0x0];
	s2 =	stileid.u32  }
0xa1: {  	s1 =	rddreg [dreg:$0x1];
	p0 =	sne.s32 s2, $0x0  }
0xa2: {  	s3 =	rddreg [dreg:$0x2];
	[bflag:$0x3] =	sbarrier.arrive $0xFFFF;
	s2 =	simm.s32 @!p0 $0x1C0D  }
0xa3: {  	[timem:s3], [sflag:s2] =	dma.local @!p0 [hbm:s0], s1  }
0xa4: {  	s0 =	simm.s32 @!p0 $0xD  }
0xa5: {  	_ =	swait.ge @!p0 [sflag:s0], s1  }
0xa6: {  	s1 =	ssub.s32 @!p0 $0x0, s1;
	[sflag:s0] =	ssyncset.done @!p0 $0x0  }
0xa7: {  	[sflag:s0] =	ssyncadd.s32 @!p0 s1  }
0xa8: {  	[bflag:$0x3] =	sbarrier.arrive $0xFFFF  }
0xa9: {  	_ =	shalt  }

// kernel: kernel.9.cloned.1.call-start
scs
__scs_entry_jumppad:
0x0: {  	(pc) =	sbr.rel $0x88, $3  }
0x1: {  	(tag) =	ssettag $0x0;
	lr =	simm.s32 $0x1  }
0x2: {  	[smem:$0x3F9B] =	sst lr;
	_ =	strace $0xD0000000  }
0x3: {  	_ = 	snop  }
0x4: {  	_ = 	snop  }
0x5: {  	_ = 	snop  }
0x6: {  	_ = 	snop  }
0x7: {  	_ = 	snop  }
__scs_overlays_trampoline_lowered:
0x8: {  	[smem:$0x3FAA] =	sst s0  }
0x9: {  	[smem:$0x3FAB] =	sst s1  }
0xa: {  	[smem:$0x3FAC] =	sst s2  }
0xb: {  	[smem:$0x3FAD] =	sst s3  }
0xc: {  	[smem:$0x3FAE] =	sst s4  }
0xd: {  	[smem:$0x3FAF] =	sst s5  }
0xe: {  	[smem:$0x3FB0] =	sst s6  }
0xf: {  	[smem:$0x3FB1] =	sst s7  }
0x10: {  	[smem:$0x3FB2] =	sst s8  }
0x11: {  	[smem:$0x3FB3] =	sst s9;
	s0 =	simm.s32 @!p0 $0x0  }
0x12: {  	s1 =	sld [smem:$0x3F99];
	s0 =	simm.s32 @p0 $0x1  }
0x13: {  	[smem:$0x3FB4] =	sst s0;
	s0 =	simm.s32 @!p1 $0x0  }
0x14: {  	s2 =	sld [smem:$0x3F98];
	s0 =	simm.s32 @p1 $0x1  }
0x15: {  	[smem:$0x3FB5] =	sst s0;
	s0 =	simm.s32 @!p2 $0x0  }
0x16: {  	s3 =	sld [smem:$0x3FDB];
	s0 =	simm.s32 @p2 $0x1  }
0x17: {  	s4 =	simm.s32 $0x1BF5;
	[smem:$0x3FB7] =	sst s0  }
0x18: {  	s0 =	sld [smem:$0x3F9A];
	_ =	swait.ge [sflag:s4], $0x0  }
0x19: {  	s7 =	sld [smem:$0x3F9B]  }
0x1a: {  	s8 =	sadd.s32 $0xFFFFE003, lr  }
0x1b: {  	s9 =	sadd.s32 $0xFFFFFEF7, lr;
	s5 =	simm.s32 $0xFFFFFFFF;
	p2 =	slt.u32 s8, $0xFFFFF086  }
0x1c: {  	p1 =	slt.u32 s9, $0xF7A;
	s5 =	simm.s32 @!p2 $0x0  }
0x1d: {  	s5 =	simm.s32 @p1 $0x1;
	p0 =	seq.s32 s7, s2  }
0x1e: {  	s7 =	smul.u32 @!p0 $0xF7A, s2;
	p2 =	seq.s32 @!p0 s5, $0x0  }
0x1f: {  	s9 =	smul.u32 $0xF7A, s1;
	s8 =	simm.s32 @!p0 $0x1BF5;
	p2 =	por !p2, p0  }
0x20: {  	[sflag:s8] =	ssyncset.s32 @!p0 $0xFFFFF086;
	s6 =	sadd.s32 @!p0 s3, s7;
	s7 =	simm.s32 @!p0 $0x108  }
0x21: {  	s3 =	sadd.s32 s3, s9;
	s6 =	sadd.s32 @!p0 $0x88, s6;
	s7 =	simm.s32 @p2 $0x1082  }
0x22: {  	[simem:s7], [sflag:s8] =	dma.local @!p0 [hbm:s6], $0xF7A  }
0x23: {  	s9 =	sor.u32 $0xD0000000, s2;
	s6 =	simm.s32 $0x108;
	_ =	swait.ge @!p0 [sflag:s8], $0x0  }
0x24: {  	s3 =	sadd.s32 $0x88, s3;
	s6 =	simm.s32 @!p1 $0x1082;
	[sflag:s4] =	ssyncset.s32 $0xFFFFF086  }
0x25: {  	[simem:s6], [sflag:s4] =	dma.local [hbm:s3], $0xF7A  }
0x26: {  	[smem:$0x3F9B] =	sst s1;
	(tag) =	ssettag s2;
	_ =	strace s9  }
0x27: {  	s1 =	sld [smem:$0x3FAB]  }
0x28: {  	s2 =	sld [smem:$0x3FAC]  }
0x29: {  	s4 =	sld [smem:$0x3FAE]  }
0x2a: {  	p0 =	seq.s32 s5, $0x0;
	s5 =	sld [smem:$0x3FAF]  }
0x2b: {  	s6 =	sld [smem:$0x3FB0]  }
0x2c: {  	s7 =	sld [smem:$0x3FB1]  }
0x2d: {  	s3 =	simm.s32 $0x108;
	s8 =	sld [smem:$0x3FB2]  }
0x2e: {  	s3 =	simm.s32 @!p0 $0x1082;
	s9 =	sld [smem:$0x3FB3]  }
0x2f: {  	lr =	sadd.s32 s0, s3;
	s0 =	sld [smem:$0x3FAA]  }
0x30: {  	s3 =	sld [smem:$0x3FAD]  }
0x31: {  	[smem:$0x3FB6] =	sst s10  }
0x32: {  	s10 =	sld [smem:$0x3FB4];
	_ =	sdelay $0x3  }
0x33: {  	p0 =	seq.s32 s10, $0x1;
	s10 =	sld [smem:$0x3FB6];
	_ =	sdelay $0x3  }
0x34: {  	[smem:$0x3FB6] =	sst s10  }
0x35: {  	s10 =	sld [smem:$0x3FB5];
	_ =	sdelay $0x3  }
0x36: {  	p1 =	seq.s32 s10, $0x1;
	s10 =	sld [smem:$0x3FB6];
	_ =	sdelay $0x3  }
0x37: {  	[smem:$0x3FB6] =	sst s10  }
0x38: {  	s10 =	sld [smem:$0x3FB7]  }
0x39: {  	_ = 	snop;
	(pc) =	sbr.ind lr, $3  }
0x3a: {  	_ = 	snop  }
0x3b: {  	_ = 	snop  }
0x3c: {  	p2 =	seq.s32 s10, $0x1;
	s10 =	sld [smem:$0x3FB6]  }
0x3d: {  	_ =	shalt  }
0x3e: {  	_ =	shalt  }
0x3f: {  	_ =	shalt  }
0x40: {  	_ =	shalt  }
0x41: {  	_ =	shalt  }
0x42: {  	_ =	shalt  }
0x43: {  	_ =	shalt  }
0x44: {  	_ =	shalt  }
0x45: {  	_ =	shalt  }
0x46: {  	_ =	shalt  }
0x47: {  	_ =	shalt  }
0x48: {  	_ =	shalt  }
0x49: {  	_ =	shalt  }
0x4a: {  	_ =	shalt  }
0x4b: {  	_ =	shalt  }
0x4c: {  	_ =	shalt  }
0x4d: {  	_ =	shalt  }
0x4e: {  	_ =	shalt  }
0x4f: {  	_ =	shalt  }
0x50: {  	_ =	shalt  }
0x51: {  	_ =	shalt  }
0x52: {  	_ =	shalt  }
0x53: {  	_ =	shalt  }
0x54: {  	_ =	shalt  }
0x55: {  	_ =	shalt  }
0x56: {  	_ =	shalt  }
0x57: {  	_ =	shalt  }
0x58: {  	_ =	shalt  }
0x59: {  	_ =	shalt  }
0x5a: {  	_ =	shalt  }
0x5b: {  	_ =	shalt  }
0x5c: {  	_ =	shalt  }
0x5d: {  	_ =	shalt  }
0x5e: {  	_ =	shalt  }
0x5f: {  	_ =	shalt  }
0x60: {  	_ =	shalt  }
0x61: {  	_ =	shalt  }
0x62: {  	_ =	shalt  }
0x63: {  	_ =	shalt  }
0x64: {  	_ =	shalt  }
0x65: {  	_ =	shalt  }
0x66: {  	_ =	shalt  }
0x67: {  	_ =	shalt  }
0x68: {  	_ =	shalt  }
0x69: {  	_ =	shalt  }
0x6a: {  	_ =	shalt  }
0x6b: {  	_ =	shalt  }
0x6c: {  	_ =	shalt  }
0x6d: {  	_ =	shalt  }
0x6e: {  	_ =	shalt  }
0x6f: {  	_ =	shalt  }
0x70: {  	_ =	shalt  }
0x71: {  	_ =	shalt  }
0x72: {  	_ =	shalt  }
0x73: {  	_ =	shalt  }
0x74: {  	_ =	shalt  }
0x75: {  	_ =	shalt  }
0x76: {  	_ =	shalt  }
0x77: {  	_ =	shalt  }
0x78: {  	_ =	shalt  }
0x79: {  	_ =	shalt  }
0x7a: {  	_ =	shalt  }
0x7b: {  	_ =	shalt  }
0x7c: {  	_ =	shalt  }
0x7d: {  	_ =	shalt  }
0x7e: {  	_ =	shalt  }
0x7f: {  	_ =	shalt  }
0x80: {  	_ =	shalt  }
0x81: {  	_ =	shalt  }
0x82: {  	_ =	shalt  }
0x83: {  	_ =	shalt  }
0x84: {  	_ =	shalt  }
0x85: {  	_ =	shalt  }
0x86: {  	_ =	shalt  }
0x87: {  	_ =	shalt  }
.Lfunc_end0:
.L_simem_size_0:
called_computation_lowered:
.L_overlay_start_0:
0x88: {  	s2 =	sld [smem:$0x3FD9]  }
0x89: {  	s3 =	sld [smem:$0x3FFE];
	_ =	sdelay $0x1  }
0x8a: {  	s1 =	srdreg.scid  }
0x8b: {  	s0 =	sand.u32 $0x1, s1  }
0x8c: {  	s17 =	sshll.u32 s0, $0xA;
	s2 =	sadd.s32 s3, s2  }
0x8d: {  	s2 =	sadd.s32 s2, s17  }
0x8e: {  	[smem:$0x3FC2] =	sst s2  }
0x8f: {  	_ = 	snop  }
0x90: {  	s2 =	sld [smem:$0x3FD0];
	(tm) =	ssettm $0x1  }
0x91: {  	s18 =	sld [smem:$0x3FFB];
	_ =	sdelay $0x3  }
0x92: {  	_ =	strace s18  }
0x93: {  	s3 =	sld [smem:$0x3FFC];
	_ =	sdelay $0x3  }
0x94: {  	_ =	strace s3  }
0x95: {  	s3 =	sld [smem:$0x3FFD];
	_ =	sdelay $0x3  }
0x96: {  	_ =	strace s3  }
0x97: {  	_ =	strace $0x8FFFFFFF  }
0x98: {  	s19 =	sld [smem:$0x3FDB];
	_ =	sdelay $0x1  }
0x99: {  	s4 =	simm.s32 $_scs_section_size  }
0x9a: {  	s5 =	simm.s32 $_size__tile_overlayer_lowered;
	s6 =	simm.s32 $_tile_overlayer_lowered  }
0x9b: {  	s22 =	simm.s32 $0x1BFF;
	s21 =	sshll.u32 s6, $0x1;
	s3 =	sadd.s32 s4, s19  }
0x9c: {  	s7 =	simm.s32 $0x0;
	s20 =	sshll.u32 s5, $0x1;
	s5 =	sadd.s32 s21, s3  }
0x9d: {  	[timem:s7], [sflag:s22] =	dma.local [hbm:s5], s20  }
0x9e: {  	_ =	swait.ge [sflag:s22], s20  }
0x9f: {  	s4 =	ssub.s32 $0x0, s20;
	[sflag:s22] =	ssyncset.done $0x0  }
0xa0: {  	[sflag:s22] =	ssyncadd.s32 s4;
	_ =	sdelay $0x1  }
0xa1: {  	s23 =	simm.s32 $0x1B8B  }
0xa2: {  	_ =	swait.ge [sflag:s23], $0x1  }
0xa3: {  	[sflag:s23] =	ssyncset.done $0x0  }
0xa4: {  	s25 =	simm.s32 $0x1B8E;
	s24 =	sld [smem:$0x3FFE];
	[sflag:s23] =	ssyncadd.s32 $0xFFFFFFFF  }
0xa5: {  	s26 =	simm.s32 $execute0_lowered;
	[smem:$0x3FD2] =	sst s25  }
0xa6: {  	s5 =	sshll.u32 s26, $0x1;
	_ =	strace $0x80000046;
	[dreg:$0x1] =	wrdreg $0xFFFFFFFF  }
0xa7: {  	s28 =	simm.s32 $_size_execute0_lowered;
	s3 =	sadd.s32 s3, s5;
	[dreg:$0x0] =	wrdreg $0x0  }
0xa8: {  	s5 =	sshll.u32 s28, $0x1;
	[dreg:$0x2] =	wrdreg s3  }
0xa9: {  	[dreg:$0x3] =	wrdreg s5  }
0xaa: {  	[dreg:$0x4] =	wrdreg $0xC0  }
0xab: {  	_ =	task [dreg:s7], $0x5FFFF  }
0xac: {  	[dreg:$0x1] =	wrdreg $0xFFFFFFFF  }
0xad: {  	[dreg:$0x0] =	wrdreg $0x60  }
0xae: {  	[dreg:$0x2] =	wrdreg s24  }
0xaf: {  	[dreg:$0x3] =	wrdreg s2  }
0xb0: {  	[dreg:$0x4] =	wrdreg $0x27600  }
0xb1: {  	[dreg:$0x5] =	wrdreg $0x9  }
0xb2: {  	_ =	task.clear_ibuf [dreg:s7], $0x6FFFF;
	_ =	strace $0x90000046  }
0xb3: {  	s29 =	simm.s32 $0x9;
	_ =	strace $0x80000048  }
0xb4: {  	_ =	swait.ge [sflag:s29], $0x1  }
0xb5: {  	[sflag:s29] =	ssyncadd.s32 $0xFFFFFFFF  }
0xb6: {  	_ =	strace $0x90000048  }
0xb7: {  	_ =	sfence  }
0xb8: {  	s30 =	sld [smem:$0x0];
	_ =	sdelay $0x2  }
0xb9: {  	s31 =	sshll.u32 s1, $0xD;
	s1 =	sshrl.u32 s1, $0x2  }
0xba: {  	s3 =	sand.u32 $0x4000, s31;
	s1 =	sadd.s32 s1, s30  }
0xbb: {  	s0 =	sor.u32 s3, s0;
	s1 =	sshll.u32 s1, $0x11  }
0xbc: {  	s0 =	sor.u32 s1, s0  }
0xbd: {  	s0 =	sadd.s32 $0x8F2B, s0  }
0xbe: {  	[sflag:s0] =	ssyncadd.remote.s32 $0x1  }
0xbf: {  	_ =	sfence.sel $0xFFFF  }
0xc0: {  	[dreg:$0x0] =	wrdreg $0xFFFFFFFF;
	(pc) =	sbr.abs _section_cstart, $3  }
0xc1: {  	[dreg:$0x1] =	wrdreg $0xFFFFFFFF  }
0xc2: {  	_ =	task.clear_ibuf [dreg:s7], $0x2FFFF;
	_ =	strace $0x9FFFFFFF  }
0xc3: {  	(tm) =	ssettm $0x7FFFFFFF  }
tec
execute0_lowered:
.L_overlay_start_1:
0x0: {  	(tag) =	ssettag $0x1  }
0x1: {  	s4 =	rddreg [dreg:$0x0]  }
0x2: {  	s6 =	rddreg [dreg:$0x1]  }
0x3: {  	s0 =	srdreg.scid;
	s1 =	rddreg [dreg:$0x2]  }
0x4: {  	s8 =	stileid.u32;
	s2 =	simm.s32 $0x0;
	s12 =	simm.s32 $0x1  }
0x5: {  	s13 =	simm.s32 $0x0;
	s5 =	sand.u32 $0x1, s0;
	s0 =	rddreg [dreg:$0x3]  }
0x6: {  	[smem:$0x7FF] =	sst s2;
	p0 =	sne.s32 s8, $0x0;
	s3 =	sshll.u32 s5, $0x4  }
0x7: {  	s9 =	ssub.s32 $0x2, s5;
	s11 =	smul.u32 $0x4E2, s5;
	s3 =	sor.u32 s8, s3  }
0x8: {  	_ =	strace $0x80000047;
	s10 =	sshrl.u32 s9, $0x1;
	s7 =	smul.u32 $0x2710, s3  }
0x9: {  	s8 =	sshrl.u32 @!p0 s1, $0x3;
	s3 =	sadd.s32 $0x16400, s4;
	s9 =	ssub.s32 s9, s10  }
0xa: {  	s6 =	sadd.s32 s6, s11;
	s10 =	simm.s32 $0x2710;
	s7 =	sshrl.u32 s7, $0x3  }
0xb: {  	s11 =	simm.s32 $0x50;
	s7 =	sadd.s32 s4, s7;
	s4 =	sadd.s32 $0x16A00, s4  }
0xc: {  	s5 =	sadd.s32 $0xC640, s7;
	s7 =	smax.u32 s9, $0x1;
	s9 =	simm.s32 $0x2  }
.LBB2_1:
0xd: {  	s14 =	simm.s32 @!p0 $0x1C02  }
0xe: {  	[spmem:s8], [sflag:s14] =	dma.local @!p0 [hbm:s3], $0x4E2  }
0xf: {  	s14 =	simm.s32 @!p0 $0x2  }
0x10: {  	_ =	swait.ge @!p0 [sflag:s14], $0x4E2  }
0x11: {  	[sflag:s14] =	ssyncset.done @!p0 $0x0  }
0x12: {  	[sflag:s14] =	ssyncadd.s32 @!p0 $0xFFFFFB1E  }
0x13: {  	[tilespmem:s2], [sflag:$0x2] =	stream.linear.gather [hbm4b:s5+s2], $0x2710, $0x38;
	[tilespmem:$0x29D8] =	vst v63  }
0x14: {  	_ =	swait.ge [sflag:s9], $0x2710  }
0x15: {  	[sflag:s9] =	ssyncset.done $0x0  }
0x16: {  	[sflag:s9] =	ssyncadd.s32 $0xFFFFD8F0  }
0x17: {  	[tilespmem:s10], [sflag:$0x2] =	stream.linear.gather [hbm4b:s4+s2], $0x50, $0x38;
	[tilespmem:$0x29D8] =	vst v63  }
0x18: {  	_ =	swait.ge [sflag:s9], $0x50  }
0x19: {  	[sflag:s9] =	ssyncset.done $0x0  }
0x1a: {  	p1 =	por $0x1, $0x1;
	[sflag:s9] =	ssyncadd.s32 $0xFFFFFFB0  }
0x1b: {  	s16 =	simm.s32 @!p1 $0x1;
	[bflag:$0x0] =	sbarrier.arrive $0xFFFF  }
0x1c: {  	[spmem:s1] =	stream.indirect.scatter.add.f32 [tilespmem:s10], [sflag:$0x1], $0x1, s2, s11, $0xb8;
	[tilespmem:$0x29D8] =	vst v63  }
0x1d: {  	_ =	swait.ge @!p1 [sflag:s16], $0x50  }
0x1e: {  	s15 =	simm.s32 $0x0;
	s14 =	simm.s32 $0x1;
	[sflag:s16] =	ssyncset.done @!p1 $0x0  }
.LBB2_2:
0x1f: {  	[sflag:s16] =	ssyncadd.s32 @!p1 $0xFFFFFFB0  }
0x20: {  	s15 =	sadd.s32 $0x50, s15;
	s16 =	smov.u32 s14;
	s14 =	sadd.s32 $0x1, s14  }
0x21: {  	p2 =	sne.s32 s14, $0x7D  }
0x22: {  	[spmem:s1] =	stream.indirect.scatter.add.f32 [tilespmem:s10], [sflag:$0x1], $0x1, s15, s11, $0xb8;
	[tilespmem:$0x29D8] =	vst v63  }
.Ltmp0:
0x23: {  	_ = 	snop;
	(pc) =	sbr.rel @p2 .LBB2_2-.Ltmp0, $4  }
0x24: {  	p1 =	slt.u32 s16, $0x8  }
0x25: {  	s16 =	simm.s32 @!p1 $0x1  }
0x26: {  	_ =	swait.ge @!p1 [sflag:s16], $0x50  }
0x27: {  	[sflag:s16] =	ssyncset.done @!p1 $0x0  }
0x28: {  	[sflag:s16] =	ssyncadd.s32 @!p1 $0xFFFFFFB0  }
0x29: {  	_ =	swait.ge [sflag:s12], $0x50  }
0x2a: {  	[sflag:s12] =	ssyncset.done $0x0  }
0x2b: {  	[sflag:s12] =	ssyncadd.s32 $0xFFFFFFB0  }
0x2c: {  	_ =	swait.ge [sflag:s12], $0x50  }
0x2d: {  	[sflag:s12] =	ssyncset.done $0x0  }
0x2e: {  	[sflag:s12] =	ssyncadd.s32 $0xFFFFFFB0  }
0x2f: {  	_ =	swait.ge [sflag:s12], $0x50  }
0x30: {  	[sflag:s12] =	ssyncset.done $0x0  }
0x31: {  	[sflag:s12] =	ssyncadd.s32 $0xFFFFFFB0  }
0x32: {  	_ =	swait.ge [sflag:s12], $0x50  }
0x33: {  	[sflag:s12] =	ssyncset.done $0x0  }
0x34: {  	[sflag:s12] =	ssyncadd.s32 $0xFFFFFFB0  }
0x35: {  	_ =	swait.ge [sflag:s12], $0x50  }
0x36: {  	[sflag:s12] =	ssyncset.done $0x0  }
0x37: {  	[sflag:s12] =	ssyncadd.s32 $0xFFFFFFB0  }
0x38: {  	_ =	swait.ge [sflag:s12], $0x50  }
0x39: {  	[sflag:s12] =	ssyncset.done $0x0  }
0x3a: {  	[sflag:s12] =	ssyncadd.s32 $0xFFFFFFB0  }
0x3b: {  	_ =	swait.ge [sflag:s12], $0x50  }
0x3c: {  	[sflag:s12] =	ssyncset.done $0x0  }
0x3d: {  	[sflag:s12] =	ssyncadd.s32 $0xFFFFFFB0  }
0x3e: {  	_ =	swait.ge [sflag:s12], $0x50  }
0x3f: {  	[sflag:s12] =	ssyncset.done $0x0  }
0x40: {  	s13 =	sadd.s32 $0x1, s13;
	[sflag:s12] =	ssyncadd.s32 $0xFFFFFFB0  }
0x41: {  	s14 =	simm.s32 @!p0 $0x1C02;
	p1 =	sne.s32 s13, s7;
	[bflag:$0x0] =	sbarrier.arrive $0xFFFF  }
0x42: {  	[hbm:s6], [sflag:s14] =	dma.local @!p0 [spmem:s8], $0x4E2  }
.Ltmp1:
0x43: {  	_ = 	snop;
	(pc) =	sbr.rel @p1 .LBB2_1-.Ltmp1, $4  }
0x44: {  	s14 =	simm.s32 @!p0 $0x2  }
0x45: {  	_ =	swait.ge @!p0 [sflag:s14], $0x4E2  }
0x46: {  	[sflag:s14] =	ssyncset.done @!p0 $0x0  }
0x47: {  	[sflag:s14] =	ssyncadd.s32 @!p0 $0xFFFFFB1E  }
0x48: {  	_ =	sfence.sel $0x180000  }
0x49: {  	[bflag:$0x0] =	sbarrier.arrive $0xFFFF  }
0x4a: {  	_ =	strace $0x90000047  }
0x4b: {  	s0 =	sadd.s32 @!p0 $0x100000, s0;
	[bflag:$0x2] =	sbarrier.arrive $0xFFFF  }
0x4c: {  	[sflag:s0] =	ssyncadd.tile.s32 @!p0 $0x1;
	_ =	shalt  }
.Lfunc_end2:
_tile_overlayer_lowered:
.L_overlay_start_2:
0x4d: {  	(tag) =	ssettag $0x2  }
0x4e: {  	s0 =	rddreg [dreg:$0x0];
	s2 =	stileid.u32  }
0x4f: {  	s1 =	rddreg [dreg:$0x1];
	p0 =	sne.s32 s2, $0x0  }
0x50: {  	s3 =	rddreg [dreg:$0x2];
	[bflag:$0x3] =	sbarrier.arrive $0xFFFF;
	s2 =	simm.s32 @!p0 $0x1C02  }
0x51: {  	[timem:s3], [sflag:s2] =	dma.local @!p0 [hbm:s0], s1  }
0x52: {  	s0 =	simm.s32 @!p0 $0x2  }
0x53: {  	_ =	swait.ge @!p0 [sflag:s0], s1  }
0x54: {  	s1 =	ssub.s32 @!p0 $0x0, s1;
	[sflag:s0] =	ssyncset.done @!p0 $0x0  }
0x55: {  	[sflag:s0] =	ssyncadd.s32 @!p0 s1  }
0x56: {  	[bflag:$0x3] =	sbarrier.arrive $0xFFFF  }
0x57: {  	_ =	shalt  }

</sc_bundles>
